<compile_context>
chip_gen: v7x
topology: tpu7x:2x2x1
jax: 0.10.2.dev20260603
libtpu: 0.0.44.dev20260713+nightly
codegen_flags: <defaults>
</compile_context>

<pallas_src>
import jax
import jax.numpy as jnp
from jax import lax
from jax.experimental import pallas as pl
from jax.experimental.pallas import tpu as pltpu
from jax.experimental.pallas import tpu_sc as plsc

N_NODES = 100000
N_EDGES = 6400000
NPAD = 102400
ROWS = NPAD // 128
NC, NS = 2, 16
NW = NC * NS
CHUNK = 8000
CPT = 25
SLICE = NPAD // NS

_mesh = plsc.VectorSubcoreMesh(core_axis_name="c", subcore_axis_name="s")


def _wid():
    return lax.axis_index("c") * NS + lax.axis_index("s")


def _stage(src_hbm, dst_sh):
    s = lax.axis_index("s")
    pltpu.sync_copy(src_hbm.at[pl.ds(s * SLICE, SLICE)],
                    dst_sh.at[pl.ds(s * SLICE, SLICE)])


def _edge_loop(w, src_hbm, dst_hbm, tabs, idx_s, idx_d, vals, accs,
               sem_i, sem_g, sem_s):
    gather = src_hbm is not None
    C = CHUNK

    def eb(i):
        return (w * CPT + i) * C

    def start_idx(i, p):
        if gather:
            pltpu.async_copy(src_hbm.at[pl.ds(eb(i), C)], idx_s[p], sem_i[p])
        pltpu.async_copy(dst_hbm.at[pl.ds(eb(i), C)], idx_d[p], sem_i[p])

    def wait_idx(p):
        if gather:
            pltpu.make_async_copy(src_hbm.at[pl.ds(0, C)], idx_s[p],
                                  sem_i[p]).wait()
        pltpu.make_async_copy(dst_hbm.at[pl.ds(0, C)], idx_d[p],
                              sem_i[p]).wait()

    def start_gather(p):
        for t, v in zip(tabs, vals):
            pltpu.async_copy(t.at[idx_s[p]], v[p], sem_g[p])

    def wait_gather(p):
        for t, v in zip(tabs, vals):
            pltpu.make_async_copy(t.at[idx_s[p]], v[p], sem_g[p]).wait()

    def start_scat(p):
        for a, v in zip(accs, vals):
            pltpu.async_copy(v[p], a.at[idx_d[p]], sem_s[p], add=True)

    def wait_scat(p):
        for a, v in zip(accs, vals):
            pltpu.make_async_copy(v[p], a.at[idx_d[p]], sem_s[p]).wait()

    def process(i, p, first):
        q = 1 - p
        wait_idx(p)
        if gather:
            start_gather(p)
        if not first:
            wait_scat(q)
        start_idx(jnp.minimum(i + 1, CPT - 1), q)
        if gather:
            wait_gather(p)
        start_scat(p)

    start_idx(0, 0)
    process(0, 0, True)

    def pair(k, carry):
        a = 2 * k + 1
        process(a, 1, False)
        process(a + 1, 0, False)
        return carry

    lax.fori_loop(0, (CPT - 1) // 2, pair, 0)
    wait_idx(1)
    wait_scat(0)


_IDX = pltpu.VMEM((CHUNK,), jnp.int32)
_VAL = pltpu.VMEM((CHUNK,), jnp.float32)
_ACC = pltpu.VMEM_SHARED((NPAD,), jnp.float32)
_SEM = pltpu.SemaphoreType.DMA


def _sc_deg(dst1d, ones, zeros):
    def body(dst_hbm, ones_hbm, zeros_hbm, out_hbm,
             id0, id1, vones, acc,
             si0, si1, ss0, ss1):
        c = lax.axis_index("c")
        pltpu.sync_copy(ones_hbm, vones)
        _stage(zeros_hbm, acc)
        plsc.subcore_barrier()
        _edge_loop(_wid(), None, dst_hbm, [], None, [id0, id1],
                   [[vones, vones]], [acc],
                   [si0, si1], None, [ss0, ss1])
        plsc.subcore_barrier()

        @pl.when(lax.axis_index("s") == 0)
        def _():
            pltpu.sync_copy(acc, out_hbm.at[c])

    f = pl.kernel(
        body, mesh=_mesh,
        out_type=jax.ShapeDtypeStruct((NC, NPAD), jnp.float32),
        scratch_types=[_IDX, _IDX, _VAL, _ACC, _SEM, _SEM, _SEM, _SEM],
    )
    return f(dst1d, ones, zeros)


def _sc_agg2(src1d, dst1d, t0, t1, zeros):
    def body(src_hbm, dst_hbm, t0_hbm, t1_hbm, zeros_hbm, out0, out1,
             is0, is1, id0, id1, v00, v01, v10, v11,
             acc0, acc1, tab0, tab1,
             si0, si1, sg0, sg1, ss0, ss1):
        c = lax.axis_index("c")
        _stage(zeros_hbm, acc0)
        _stage(zeros_hbm, acc1)
        _stage(t0_hbm, tab0)
        _stage(t1_hbm, tab1)
        plsc.subcore_barrier()
        _edge_loop(_wid(), src_hbm, dst_hbm, [tab0, tab1],
                   [is0, is1], [id0, id1],
                   [[v00, v01], [v10, v11]], [acc0, acc1],
                   [si0, si1], [sg0, sg1], [ss0, ss1])
        plsc.subcore_barrier()

        @pl.when(lax.axis_index("s") == 0)
        def _():
            pltpu.sync_copy(acc0, out0.at[c])
            pltpu.sync_copy(acc1, out1.at[c])

    f = pl.kernel(
        body, mesh=_mesh,
        out_type=[jax.ShapeDtypeStruct((NC, NPAD), jnp.float32)] * 2,
        scratch_types=[_IDX, _IDX, _IDX, _IDX, _VAL, _VAL, _VAL, _VAL,
                       _ACC, _ACC, _ACC, _ACC,
                       _SEM, _SEM, _SEM, _SEM, _SEM, _SEM],
    )
    return f(src1d, dst1d, t0, t1, zeros)


def _sc_agg1(src1d, dst1d, tab, zeros):
    def body(src_hbm, dst_hbm, t_hbm, zeros_hbm, out0,
             is0, is1, id0, id1, v0, v1, acc0, tab0,
             si0, si1, sg0, sg1, ss0, ss1):
        c = lax.axis_index("c")
        _stage(zeros_hbm, acc0)
        _stage(t_hbm, tab0)
        plsc.subcore_barrier()
        _edge_loop(_wid(), src_hbm, dst_hbm, [tab0],
                   [is0, is1], [id0, id1],
                   [[v0, v1]], [acc0],
                   [si0, si1], [sg0, sg1], [ss0, ss1])
        plsc.subcore_barrier()

        @pl.when(lax.axis_index("s") == 0)
        def _():
            pltpu.sync_copy(acc0, out0.at[c])

    f = pl.kernel(
        body, mesh=_mesh,
        out_type=jax.ShapeDtypeStruct((NC, NPAD), jnp.float32),
        scratch_types=[_IDX, _IDX, _IDX, _IDX, _VAL, _VAL, _ACC, _ACC,
                       _SEM, _SEM, _SEM, _SEM, _SEM, _SEM],
    )
    return f(src1d, dst1d, tab, zeros)


def _tc_prep(degp, x0, x1):
    def body(degp_ref, x0_ref, x1_ref, dis_ref, g0_ref, g1_ref):
        deg = degp_ref[0] + degp_ref[1] + 1.0
        dis = lax.rsqrt(deg)
        dis_ref[...] = dis
        g0_ref[...] = dis * x0_ref[...]
        g1_ref[...] = dis * x1_ref[...]

    return pl.pallas_call(
        body,
        out_shape=[jax.ShapeDtypeStruct((ROWS, 128), jnp.float32)] * 3,
    )(degp, x0, x1)


def _tc_mid(dis, g0, g1, ap0, ap1, W1, b1, W2):
    def body(dis_ref, g0_ref, g1_ref, ap0_ref, ap1_ref, w1_ref, b1_ref,
             w2_ref, z_ref):
        dis = dis_ref[...]
        a0 = dis * (ap0_ref[0] + ap0_ref[1] + g0_ref[...])
        a1 = dis * (ap1_ref[0] + ap1_ref[1] + g1_ref[...])
        z = jnp.zeros_like(dis)
        for k in range(16):
            h = jnp.maximum(a0 * w1_ref[0, k] + a1 * w1_ref[1, k] + b1_ref[k],
                            0.0)
            z = z + h * w2_ref[k, 0]
        z_ref[...] = dis * z

    return pl.pallas_call(
        body,
        in_specs=[
            pl.BlockSpec(memory_space=pltpu.VMEM),
            pl.BlockSpec(memory_space=pltpu.VMEM),
            pl.BlockSpec(memory_space=pltpu.VMEM),
            pl.BlockSpec(memory_space=pltpu.VMEM),
            pl.BlockSpec(memory_space=pltpu.VMEM),
            pl.BlockSpec(memory_space=pltpu.SMEM),
            pl.BlockSpec(memory_space=pltpu.SMEM),
            pl.BlockSpec(memory_space=pltpu.SMEM),
        ],
        out_shape=jax.ShapeDtypeStruct((ROWS, 128), jnp.float32),
    )(dis, g0, g1, ap0, ap1, W1, b1, W2)


def _tc_fin(dis, z, accz, b2):
    def body(dis_ref, z_ref, ap_ref, b2_ref, out_ref):
        out_ref[...] = (dis_ref[...] * (ap_ref[0] + ap_ref[1] + z_ref[...])
                        + b2_ref[0])

    return pl.pallas_call(
        body,
        in_specs=[
            pl.BlockSpec(memory_space=pltpu.VMEM),
            pl.BlockSpec(memory_space=pltpu.VMEM),
            pl.BlockSpec(memory_space=pltpu.VMEM),
            pl.BlockSpec(memory_space=pltpu.SMEM),
        ],
        out_shape=jax.ShapeDtypeStruct((ROWS, 128), jnp.float32),
    )(dis, z, accz, b2)


def kernel(x, edge_index, W1, b1, W2, b2):
    ei = edge_index.astype(jnp.int32)
    src1d = ei[0]
    dst1d = ei[1]

    zeros = jnp.zeros((NPAD,), jnp.float32)
    ones = jnp.ones((CHUNK,), jnp.float32)

    xp = jnp.pad(x, ((0, NPAD - N_NODES), (0, 0)))
    x0 = xp[:, 0].reshape(ROWS, 128)
    x1 = xp[:, 1].reshape(ROWS, 128)

    degp = _sc_deg(dst1d, ones, zeros)
    dis, g0, g1 = _tc_prep(degp.reshape(NC, ROWS, 128), x0, x1)
    ap0, ap1 = _sc_agg2(src1d, dst1d, g0.reshape(NPAD), g1.reshape(NPAD),
                        zeros)
    z = _tc_mid(dis, g0, g1, ap0.reshape(NC, ROWS, 128),
                ap1.reshape(NC, ROWS, 128), W1, b1, W2)
    accz = _sc_agg1(src1d, dst1d, z.reshape(NPAD), zeros)
    out = _tc_fin(dis, z, accz.reshape(NC, ROWS, 128), b2)
    return out.reshape(NPAD)[:N_NODES]

# --- scband reference (transcript-rebuilt; emitter-appended) ---
"""Pipeline reference for scband-traffic-gcn-6622839571020 (READ-ONLY COPY).

The authoritative reference and input builder live on the scoring server;
editing this copy changes nothing except your own understanding.
"""

import jax, jax.numpy as jnp
import numpy as np

N_NODES = 100000
N_EDGES = 6400000


def _gcn_conv(x, edge_index, W, b):
    # Faithful PyG GCNConv: add self-loops, symmetric normalization, scatter-add aggregate, bias.
    N = x.shape[0]
    loop = jnp.arange(N, dtype=edge_index.dtype)
    src = jnp.concatenate([edge_index[0], loop])
    dst = jnp.concatenate([edge_index[1], loop])
    deg = jnp.zeros((N,), dtype=x.dtype).at[dst].add(jnp.ones_like(dst, dtype=x.dtype))
    deg_inv_sqrt = jnp.where(deg > 0, jax.lax.rsqrt(deg), 0.0)
    norm = deg_inv_sqrt[src] * deg_inv_sqrt[dst]
    h = x @ W
    msg = h[src] * norm[:, None]
    out = jnp.zeros((N, W.shape[1]), dtype=x.dtype).at[dst].add(msg)
    return out + b


def setup_inputs(seed: int = 0) -> dict:
    key = jax.random.key(seed)
    k1, k2, k3, k4, k5, k6 = jax.random.split(key, 6)
    x = jax.random.normal(k1, (N_NODES, 2), dtype=jnp.float32)
    edge_index = jax.random.randint(k2, (2, N_EDGES), 0, N_NODES, dtype=jnp.int64)
    # Glorot-style init for GCN weights, zero bias (PyG defaults)
    W1 = jax.random.normal(k3, (2, 16), dtype=jnp.float32) * (1.0 / np.sqrt(2.0))
    b1 = jnp.zeros((16,), dtype=jnp.float32)
    W2 = jax.random.normal(k4, (16, 1), dtype=jnp.float32) * (1.0 / np.sqrt(16.0))
    b2 = jnp.zeros((1,), dtype=jnp.float32)
    return {"x": x, "edge_index": edge_index, "W1": W1, "b1": b1, "W2": W2, "b2": b2}


def reference(x, edge_index, W1, b1, W2, b2):
    h = _gcn_conv(x, edge_index, W1, b1)
    h = jax.nn.relu(h)
    out = _gcn_conv(h, edge_index, W2, b2)
    return jnp.squeeze(out, axis=-1)

if __name__ == "__main__":
    import jax
    _d = setup_inputs()
    print(jax.jit(kernel)(*tuple(_d.values())))

</pallas_src>

<mosaic_0001>
#map = affine_map<(d0, d1) -> (0)>
#map1 = affine_map<(d0, d1) -> (0, 0)>
module attributes {stable_mosaic.version = 14 : i64} {
  func.func @body(%arg0: i32, %arg1: i32, %arg2: memref<6400000xi32, #tpu.memory_space<hbm>>, %arg3: memref<6400000xi32, #tpu.memory_space<hbm>>, %arg4: memref<102400xf32, #tpu.memory_space<hbm>>, %arg5: memref<102400xf32, #tpu.memory_space<hbm>>, %arg6: memref<102400xf32, #tpu.memory_space<hbm>>, %arg7: memref<2x102400xf32, #tpu.memory_space<hbm>>, %arg8: memref<2x102400xf32, #tpu.memory_space<hbm>>, %arg9: memref<8000xi32, #tpu.memory_space<vmem>>, %arg10: memref<8000xi32, #tpu.memory_space<vmem>>, %arg11: memref<8000xi32, #tpu.memory_space<vmem>>, %arg12: memref<8000xi32, #tpu.memory_space<vmem>>, %arg13: memref<8000xf32, #tpu.memory_space<vmem>>, %arg14: memref<8000xf32, #tpu.memory_space<vmem>>, %arg15: memref<8000xf32, #tpu.memory_space<vmem>>, %arg16: memref<8000xf32, #tpu.memory_space<vmem>>, %arg17: memref<102400xf32, #tpu.memory_space<vmem_shared>>, %arg18: memref<102400xf32, #tpu.memory_space<vmem_shared>>, %arg19: memref<102400xf32, #tpu.memory_space<vmem_shared>>, %arg20: memref<102400xf32, #tpu.memory_space<vmem_shared>>, %arg21: memref<!tpu.dma_semaphore, #tpu.memory_space<semaphore_mem>>, %arg22: memref<!tpu.dma_semaphore, #tpu.memory_space<semaphore_mem>>, %arg23: memref<!tpu.dma_semaphore, #tpu.memory_space<semaphore_mem>>, %arg24: memref<!tpu.dma_semaphore, #tpu.memory_space<semaphore_mem>>, %arg25: memref<!tpu.dma_semaphore, #tpu.memory_space<semaphore_mem>>, %arg26: memref<!tpu.dma_semaphore, #tpu.memory_space<semaphore_mem>>) attributes {dimension_semantics = [#tpu.dimension_semantics<core_parallel>, #tpu.dimension_semantics<subcore_parallel>], iteration_bounds = array<i64: 2, 16>, scalar_prefetch = 0 : i64, scratch_operands = 18 : i64, tpu.core_type = #tpu.core_type<sc_vector_subcore>, window_params = [{transform_indices = #map}, {transform_indices = #map}, {transform_indices = #map}, {transform_indices = #map}, {transform_indices = #map}, {transform_indices = #map1}, {transform_indices = #map1}]} {
    %mul3A = arith.constant 6400 : i32
    %mul3A_0 = arith.muli %arg1, %mul3A : i32
    %mul3A_1 = arith.constant 6400 : i32
    %mul3A_2 = arith.muli %arg1, %mul3A_1 : i32
    "tpu.region"() ({
      %run_scoped3A = tpu.sem_alloc : memref<!tpu.dma_semaphore, #tpu.memory_space<semaphore_mem>>
      %dma_start3A_87 = tpu.memref_slice %arg17[%mul3A_2] : memref<102400xf32, #tpu.memory_space<vmem_shared>> -> memref<6400xf32, #tpu.memory_space<vmem_shared>>
      %dma_start3A_88 = tpu.memref_slice %arg6[%mul3A_0] : memref<102400xf32, #tpu.memory_space<hbm>> -> memref<6400xf32, #tpu.memory_space<hbm>>
      tpu.enqueue_dma source(%dma_start3A_88 : memref<6400xf32, #tpu.memory_space<hbm>>) target(%dma_start3A_87 : memref<6400xf32, #tpu.memory_space<vmem_shared>>) target_semaphore(%run_scoped3A : memref<!tpu.dma_semaphore, #tpu.memory_space<semaphore_mem>>)
      %dma_wait3A_89 = tpu.memref_slice %arg17[%mul3A_2] : memref<102400xf32, #tpu.memory_space<vmem_shared>> -> memref<6400xf32, #tpu.memory_space<vmem_shared>>
      %dma_wait3A_90 = tpu.memref_slice %arg6[%mul3A_0] : memref<102400xf32, #tpu.memory_space<hbm>> -> memref<6400xf32, #tpu.memory_space<hbm>>
      tpu.wait_dma2 semaphore(%run_scoped3A : memref<!tpu.dma_semaphore, #tpu.memory_space<semaphore_mem>>) src(%dma_wait3A_90 : memref<6400xf32, #tpu.memory_space<hbm>>) dst(%dma_wait3A_89 : memref<6400xf32, #tpu.memory_space<vmem_shared>>)
      tpu.yield
    }) : () -> ()
    %mul3A_3 = arith.constant 6400 : i32
    %mul3A_4 = arith.muli %arg1, %mul3A_3 : i32
    %mul3A_5 = arith.constant 6400 : i32
    %mul3A_6 = arith.muli %arg1, %mul3A_5 : i32
    "tpu.region"() ({
      %run_scoped3A = tpu.sem_alloc : memref<!tpu.dma_semaphore, #tpu.memory_space<semaphore_mem>>
      %dma_start3A_87 = tpu.memref_slice %arg18[%mul3A_6] : memref<102400xf32, #tpu.memory_space<vmem_shared>> -> memref<6400xf32, #tpu.memory_space<vmem_shared>>
      %dma_start3A_88 = tpu.memref_slice %arg6[%mul3A_4] : memref<102400xf32, #tpu.memory_space<hbm>> -> memref<6400xf32, #tpu.memory_space<hbm>>
      tpu.enqueue_dma source(%dma_start3A_88 : memref<6400xf32, #tpu.memory_space<hbm>>) target(%dma_start3A_87 : memref<6400xf32, #tpu.memory_space<vmem_shared>>) target_semaphore(%run_scoped3A : memref<!tpu.dma_semaphore, #tpu.memory_space<semaphore_mem>>)
      %dma_wait3A_89 = tpu.memref_slice %arg18[%mul3A_6] : memref<102400xf32, #tpu.memory_space<vmem_shared>> -> memref<6400xf32, #tpu.memory_space<vmem_shared>>
      %dma_wait3A_90 = tpu.memref_slice %arg6[%mul3A_4] : memref<102400xf32, #tpu.memory_space<hbm>> -> memref<6400xf32, #tpu.memory_space<hbm>>
      tpu.wait_dma2 semaphore(%run_scoped3A : memref<!tpu.dma_semaphore, #tpu.memory_space<semaphore_mem>>) src(%dma_wait3A_90 : memref<6400xf32, #tpu.memory_space<hbm>>) dst(%dma_wait3A_89 : memref<6400xf32, #tpu.memory_space<vmem_shared>>)
      tpu.yield
    }) : () -> ()
    %mul3A_7 = arith.constant 6400 : i32
    %mul3A_8 = arith.muli %arg1, %mul3A_7 : i32
    %mul3A_9 = arith.constant 6400 : i32
    %mul3A_10 = arith.muli %arg1, %mul3A_9 : i32
    "tpu.region"() ({
      %run_scoped3A = tpu.sem_alloc : memref<!tpu.dma_semaphore, #tpu.memory_space<semaphore_mem>>
      %dma_start3A_87 = tpu.memref_slice %arg19[%mul3A_10] : memref<102400xf32, #tpu.memory_space<vmem_shared>> -> memref<6400xf32, #tpu.memory_space<vmem_shared>>
      %dma_start3A_88 = tpu.memref_slice %arg4[%mul3A_8] : memref<102400xf32, #tpu.memory_space<hbm>> -> memref<6400xf32, #tpu.memory_space<hbm>>
      tpu.enqueue_dma source(%dma_start3A_88 : memref<6400xf32, #tpu.memory_space<hbm>>) target(%dma_start3A_87 : memref<6400xf32, #tpu.memory_space<vmem_shared>>) target_semaphore(%run_scoped3A : memref<!tpu.dma_semaphore, #tpu.memory_space<semaphore_mem>>)
      %dma_wait3A_89 = tpu.memref_slice %arg19[%mul3A_10] : memref<102400xf32, #tpu.memory_space<vmem_shared>> -> memref<6400xf32, #tpu.memory_space<vmem_shared>>
      %dma_wait3A_90 = tpu.memref_slice %arg4[%mul3A_8] : memref<102400xf32, #tpu.memory_space<hbm>> -> memref<6400xf32, #tpu.memory_space<hbm>>
      tpu.wait_dma2 semaphore(%run_scoped3A : memref<!tpu.dma_semaphore, #tpu.memory_space<semaphore_mem>>) src(%dma_wait3A_90 : memref<6400xf32, #tpu.memory_space<hbm>>) dst(%dma_wait3A_89 : memref<6400xf32, #tpu.memory_space<vmem_shared>>)
      tpu.yield
    }) : () -> ()
    %mul3A_11 = arith.constant 6400 : i32
    %mul3A_12 = arith.muli %arg1, %mul3A_11 : i32
    %mul3A_13 = arith.constant 6400 : i32
    %mul3A_14 = arith.muli %arg1, %mul3A_13 : i32
    "tpu.region"() ({
      %run_scoped3A = tpu.sem_alloc : memref<!tpu.dma_semaphore, #tpu.memory_space<semaphore_mem>>
      %dma_start3A_87 = tpu.memref_slice %arg20[%mul3A_14] : memref<102400xf32, #tpu.memory_space<vmem_shared>> -> memref<6400xf32, #tpu.memory_space<vmem_shared>>
      %dma_start3A_88 = tpu.memref_slice %arg5[%mul3A_12] : memref<102400xf32, #tpu.memory_space<hbm>> -> memref<6400xf32, #tpu.memory_space<hbm>>
      tpu.enqueue_dma source(%dma_start3A_88 : memref<6400xf32, #tpu.memory_space<hbm>>) target(%dma_start3A_87 : memref<6400xf32, #tpu.memory_space<vmem_shared>>) target_semaphore(%run_scoped3A : memref<!tpu.dma_semaphore, #tpu.memory_space<semaphore_mem>>)
      %dma_wait3A_89 = tpu.memref_slice %arg20[%mul3A_14] : memref<102400xf32, #tpu.memory_space<vmem_shared>> -> memref<6400xf32, #tpu.memory_space<vmem_shared>>
      %dma_wait3A_90 = tpu.memref_slice %arg5[%mul3A_12] : memref<102400xf32, #tpu.memory_space<hbm>> -> memref<6400xf32, #tpu.memory_space<hbm>>
      tpu.wait_dma2 semaphore(%run_scoped3A : memref<!tpu.dma_semaphore, #tpu.memory_space<semaphore_mem>>) src(%dma_wait3A_90 : memref<6400xf32, #tpu.memory_space<hbm>>) dst(%dma_wait3A_89 : memref<6400xf32, #tpu.memory_space<vmem_shared>>)
      tpu.yield
    }) : () -> ()
    %barrier3A = arith.constant 0 : index
    tpu.barrier barrier_id(%barrier3A)
    %mul3A_15 = arith.constant 16 : i32
    %mul3A_16 = arith.muli %arg0, %mul3A_15 : i32
    %add3A = arith.addi %mul3A_16, %arg1 : i32
    %mul3A_17 = arith.constant 25 : i32
    %mul3A_18 = arith.muli %add3A, %mul3A_17 : i32
    %add3A_19 = arith.constant 0 : i32
    %add3A_20 = arith.addi %mul3A_18, %add3A_19 : i32
    %mul3A_21 = arith.constant 8000 : i32
    %mul3A_22 = arith.muli %add3A_20, %mul3A_21 : i32
    %dma_start3A = tpu.memref_slice %arg2[%mul3A_22] : memref<6400000xi32, #tpu.memory_space<hbm>> -> memref<8000xi32, #tpu.memory_space<hbm>>
    %dma_start3A_23 = tpu.memref_slice %arg2[%mul3A_22] : memref<6400000xi32, #tpu.memory_space<hbm>> -> memref<8000xi32, #tpu.memory_space<hbm>>
    tpu.enqueue_dma source(%dma_start3A_23 : memref<8000xi32, #tpu.memory_space<hbm>>) target(%arg9 : memref<8000xi32, #tpu.memory_space<vmem>>) target_semaphore(%arg21 : memref<!tpu.dma_semaphore, #tpu.memory_space<semaphore_mem>>)
    %mul3A_24 = arith.constant 25 : i32
    %mul3A_25 = arith.muli %add3A, %mul3A_24 : i32
    %add3A_26 = arith.constant 0 : i32
    %add3A_27 = arith.addi %mul3A_25, %add3A_26 : i32
    %mul3A_28 = arith.constant 8000 : i32
    %mul3A_29 = arith.muli %add3A_27, %mul3A_28 : i32
    %dma_start3A_30 = tpu.memref_slice %arg3[%mul3A_29] : memref<6400000xi32, #tpu.memory_space<hbm>> -> memref<8000xi32, #tpu.memory_space<hbm>>
    %dma_start3A_31 = tpu.memref_slice %arg3[%mul3A_29] : memref<6400000xi32, #tpu.memory_space<hbm>> -> memref<8000xi32, #tpu.memory_space<hbm>>
    tpu.enqueue_dma source(%dma_start3A_31 : memref<8000xi32, #tpu.memory_space<hbm>>) target(%arg11 : memref<8000xi32, #tpu.memory_space<vmem>>) target_semaphore(%arg21 : memref<!tpu.dma_semaphore, #tpu.memory_space<semaphore_mem>>)
    %dma_wait3A = arith.constant 0 : i32
    %dma_wait3A_32 = tpu.memref_slice %arg2[%dma_wait3A] : memref<6400000xi32, #tpu.memory_space<hbm>> -> memref<8000xi32, #tpu.memory_space<hbm>>
    %dma_wait3A_33 = arith.constant 0 : i32
    %dma_wait3A_34 = tpu.memref_slice %arg2[%dma_wait3A_33] : memref<6400000xi32, #tpu.memory_space<hbm>> -> memref<8000xi32, #tpu.memory_space<hbm>>
    tpu.wait_dma2 semaphore(%arg21 : memref<!tpu.dma_semaphore, #tpu.memory_space<semaphore_mem>>) src(%dma_wait3A_34 : memref<8000xi32, #tpu.memory_space<hbm>>) dst(%arg9 : memref<8000xi32, #tpu.memory_space<vmem>>)
    %dma_wait3A_35 = arith.constant 0 : i32
    %dma_wait3A_36 = tpu.memref_slice %arg3[%dma_wait3A_35] : memref<6400000xi32, #tpu.memory_space<hbm>> -> memref<8000xi32, #tpu.memory_space<hbm>>
    %dma_wait3A_37 = arith.constant 0 : i32
    %dma_wait3A_38 = tpu.memref_slice %arg3[%dma_wait3A_37] : memref<6400000xi32, #tpu.memory_space<hbm>> -> memref<8000xi32, #tpu.memory_space<hbm>>
    tpu.wait_dma2 semaphore(%arg21 : memref<!tpu.dma_semaphore, #tpu.memory_space<semaphore_mem>>) src(%dma_wait3A_38 : memref<8000xi32, #tpu.memory_space<hbm>>) dst(%arg11 : memref<8000xi32, #tpu.memory_space<vmem>>)
    %dma_start3A_39 = arith.constant 0 : i32
    %dma_start3A_40 = tpu.memref_slice %arg19[%dma_start3A_39] : memref<102400xf32, #tpu.memory_space<vmem_shared>> -> memref<102400xf32, #tpu.memory_space<vmem_shared>>
    tpu.enqueue_indirect_dma source(%dma_start3A_40 : memref<102400xf32, #tpu.memory_space<vmem_shared>>) target(%arg13 : memref<8000xf32, #tpu.memory_space<vmem>>) offsets(%arg9 : memref<8000xi32, #tpu.memory_space<vmem>>) semaphore(%arg23 : memref<!tpu.dma_semaphore, #tpu.memory_space<semaphore_mem>>)
    %dma_start3A_41 = arith.constant 0 : i32
    %dma_start3A_42 = tpu.memref_slice %arg20[%dma_start3A_41] : memref<102400xf32, #tpu.memory_space<vmem_shared>> -> memref<102400xf32, #tpu.memory_space<vmem_shared>>
    tpu.enqueue_indirect_dma source(%dma_start3A_42 : memref<102400xf32, #tpu.memory_space<vmem_shared>>) target(%arg15 : memref<8000xf32, #tpu.memory_space<vmem>>) offsets(%arg9 : memref<8000xi32, #tpu.memory_space<vmem>>) semaphore(%arg23 : memref<!tpu.dma_semaphore, #tpu.memory_space<semaphore_mem>>)
    %min3A = arith.constant 1 : i32
    %min3A_43 = arith.constant 24 : i32
    %min3A_44 = arith.minsi %min3A, %min3A_43 : i32
    %mul3A_45 = arith.constant 25 : i32
    %mul3A_46 = arith.muli %add3A, %mul3A_45 : i32
    %add3A_47 = arith.addi %mul3A_46, %min3A_44 : i32
    %mul3A_48 = arith.constant 8000 : i32
    %mul3A_49 = arith.muli %add3A_47, %mul3A_48 : i32
    %dma_start3A_50 = tpu.memref_slice %arg2[%mul3A_49] : memref<6400000xi32, #tpu.memory_space<hbm>> -> memref<8000xi32, #tpu.memory_space<hbm>>
    %dma_start3A_51 = tpu.memref_slice %arg2[%mul3A_49] : memref<6400000xi32, #tpu.memory_space<hbm>> -> memref<8000xi32, #tpu.memory_space<hbm>>
    tpu.enqueue_dma source(%dma_start3A_51 : memref<8000xi32, #tpu.memory_space<hbm>>) target(%arg10 : memref<8000xi32, #tpu.memory_space<vmem>>) target_semaphore(%arg22 : memref<!tpu.dma_semaphore, #tpu.memory_space<semaphore_mem>>)
    %mul3A_52 = arith.constant 25 : i32
    %mul3A_53 = arith.muli %add3A, %mul3A_52 : i32
    %add3A_54 = arith.addi %mul3A_53, %min3A_44 : i32
    %mul3A_55 = arith.constant 8000 : i32
    %mul3A_56 = arith.muli %add3A_54, %mul3A_55 : i32
    %dma_start3A_57 = tpu.memref_slice %arg3[%mul3A_56] : memref<6400000xi32, #tpu.memory_space<hbm>> -> memref<8000xi32, #tpu.memory_space<hbm>>
    %dma_start3A_58 = tpu.memref_slice %arg3[%mul3A_56] : memref<6400000xi32, #tpu.memory_space<hbm>> -> memref<8000xi32, #tpu.memory_space<hbm>>
    tpu.enqueue_dma source(%dma_start3A_58 : memref<8000xi32, #tpu.memory_space<hbm>>) target(%arg12 : memref<8000xi32, #tpu.memory_space<vmem>>) target_semaphore(%arg22 : memref<!tpu.dma_semaphore, #tpu.memory_space<semaphore_mem>>)
    %dma_wait3A_59 = arith.constant 0 : i32
    %dma_wait3A_60 = tpu.memref_slice %arg19[%dma_wait3A_59] : memref<102400xf32, #tpu.memory_space<vmem_shared>> -> memref<102400xf32, #tpu.memory_space<vmem_shared>>
    tpu.wait_indirect_dma semaphore(%arg23 : memref<!tpu.dma_semaphore, #tpu.memory_space<semaphore_mem>>) src(%dma_wait3A_60 : memref<102400xf32, #tpu.memory_space<vmem_shared>>) dst(%arg13 : memref<8000xf32, #tpu.memory_space<vmem>>)
    %dma_wait3A_61 = arith.constant 0 : i32
    %dma_wait3A_62 = tpu.memref_slice %arg20[%dma_wait3A_61] : memref<102400xf32, #tpu.memory_space<vmem_shared>> -> memref<102400xf32, #tpu.memory_space<vmem_shared>>
    tpu.wait_indirect_dma semaphore(%arg23 : memref<!tpu.dma_semaphore, #tpu.memory_space<semaphore_mem>>) src(%dma_wait3A_62 : memref<102400xf32, #tpu.memory_space<vmem_shared>>) dst(%arg15 : memref<8000xf32, #tpu.memory_space<vmem>>)
    %dma_start3A_63 = arith.constant 0 : i32
    %dma_start3A_64 = tpu.memref_slice %arg17[%dma_start3A_63] : memref<102400xf32, #tpu.memory_space<vmem_shared>> -> memref<102400xf32, #tpu.memory_space<vmem_shared>>
    tpu.enqueue_indirect_dma source(%arg13 : memref<8000xf32, #tpu.memory_space<vmem>>) target(%dma_start3A_64 : memref<102400xf32, #tpu.memory_space<vmem_shared>>) offsets(%arg11 : memref<8000xi32, #tpu.memory_space<vmem>>) semaphore(%arg25 : memref<!tpu.dma_semaphore, #tpu.memory_space<semaphore_mem>>) {add = true}
    %dma_start3A_65 = arith.constant 0 : i32
    %dma_start3A_66 = tpu.memref_slice %arg18[%dma_start3A_65] : memref<102400xf32, #tpu.memory_space<vmem_shared>> -> memref<102400xf32, #tpu.memory_space<vmem_shared>>
    tpu.enqueue_indirect_dma source(%arg15 : memref<8000xf32, #tpu.memory_space<vmem>>) target(%dma_start3A_66 : memref<102400xf32, #tpu.memory_space<vmem_shared>>) offsets(%arg11 : memref<8000xi32, #tpu.memory_space<vmem>>) semaphore(%arg25 : memref<!tpu.dma_semaphore, #tpu.memory_space<semaphore_mem>>) {add = true}
    %scan3A = arith.constant 0 : i32
    %scan3A_67 = arith.constant 0 : i32
    %scan3A_68 = arith.constant 12 : i32
    %scan3A_69 = arith.addi %scan3A_67, %scan3A_68 : i32
    %scan3A_70 = arith.constant 1 : i32
    scf.for %scan3A_87 = %scan3A_67 to %scan3A_69 step %scan3A_70  : i32 {
      %mul3A_88 = arith.constant 2 : i32
      %mul3A_89 = arith.muli %mul3A_88, %scan3A_87 : i32
      %add3A_90 = arith.constant 1 : i32
      %add3A_91 = arith.addi %mul3A_89, %add3A_90 : i32
      %dma_wait3A_92 = arith.constant 0 : i32
      %dma_wait3A_93 = tpu.memref_slice %arg2[%dma_wait3A_92] : memref<6400000xi32, #tpu.memory_space<hbm>> -> memref<8000xi32, #tpu.memory_space<hbm>>
      %dma_wait3A_94 = arith.constant 0 : i32
      %dma_wait3A_95 = tpu.memref_slice %arg2[%dma_wait3A_94] : memref<6400000xi32, #tpu.memory_space<hbm>> -> memref<8000xi32, #tpu.memory_space<hbm>>
      tpu.wait_dma2 semaphore(%arg22 : memref<!tpu.dma_semaphore, #tpu.memory_space<semaphore_mem>>) src(%dma_wait3A_95 : memref<8000xi32, #tpu.memory_space<hbm>>) dst(%arg10 : memref<8000xi32, #tpu.memory_space<vmem>>)
      %dma_wait3A_96 = arith.constant 0 : i32
      %dma_wait3A_97 = tpu.memref_slice %arg3[%dma_wait3A_96] : memref<6400000xi32, #tpu.memory_space<hbm>> -> memref<8000xi32, #tpu.memory_space<hbm>>
      %dma_wait3A_98 = arith.constant 0 : i32
      %dma_wait3A_99 = tpu.memref_slice %arg3[%dma_wait3A_98] : memref<6400000xi32, #tpu.memory_space<hbm>> -> memref<8000xi32, #tpu.memory_space<hbm>>
      tpu.wait_dma2 semaphore(%arg22 : memref<!tpu.dma_semaphore, #tpu.memory_space<semaphore_mem>>) src(%dma_wait3A_99 : memref<8000xi32, #tpu.memory_space<hbm>>) dst(%arg12 : memref<8000xi32, #tpu.memory_space<vmem>>)
      %dma_start3A_100 = arith.constant 0 : i32
      %dma_start3A_101 = tpu.memref_slice %arg19[%dma_start3A_100] : memref<102400xf32, #tpu.memory_space<vmem_shared>> -> memref<102400xf32, #tpu.memory_space<vmem_shared>>
      tpu.enqueue_indirect_dma source(%dma_start3A_101 : memref<102400xf32, #tpu.memory_space<vmem_shared>>) target(%arg14 : memref<8000xf32, #tpu.memory_space<vmem>>) offsets(%arg10 : memref<8000xi32, #tpu.memory_space<vmem>>) semaphore(%arg24 : memref<!tpu.dma_semaphore, #tpu.memory_space<semaphore_mem>>)
      %dma_start3A_102 = arith.constant 0 : i32
      %dma_start3A_103 = tpu.memref_slice %arg20[%dma_start3A_102] : memref<102400xf32, #tpu.memory_space<vmem_shared>> -> memref<102400xf32, #tpu.memory_space<vmem_shared>>
      tpu.enqueue_indirect_dma source(%dma_start3A_103 : memref<102400xf32, #tpu.memory_space<vmem_shared>>) target(%arg16 : memref<8000xf32, #tpu.memory_space<vmem>>) offsets(%arg10 : memref<8000xi32, #tpu.memory_space<vmem>>) semaphore(%arg24 : memref<!tpu.dma_semaphore, #tpu.memory_space<semaphore_mem>>)
      %dma_wait3A_104 = arith.constant 0 : i32
      %dma_wait3A_105 = tpu.memref_slice %arg17[%dma_wait3A_104] : memref<102400xf32, #tpu.memory_space<vmem_shared>> -> memref<102400xf32, #tpu.memory_space<vmem_shared>>
      tpu.wait_indirect_dma semaphore(%arg25 : memref<!tpu.dma_semaphore, #tpu.memory_space<semaphore_mem>>) src(%arg13 : memref<8000xf32, #tpu.memory_space<vmem>>) dst(%dma_wait3A_105 : memref<102400xf32, #tpu.memory_space<vmem_shared>>)
      %dma_wait3A_106 = arith.constant 0 : i32
      %dma_wait3A_107 = tpu.memref_slice %arg18[%dma_wait3A_106] : memref<102400xf32, #tpu.memory_space<vmem_shared>> -> memref<102400xf32, #tpu.memory_space<vmem_shared>>
      tpu.wait_indirect_dma semaphore(%arg25 : memref<!tpu.dma_semaphore, #tpu.memory_space<semaphore_mem>>) src(%arg15 : memref<8000xf32, #tpu.memory_space<vmem>>) dst(%dma_wait3A_107 : memref<102400xf32, #tpu.memory_space<vmem_shared>>)
      %add3A_108 = arith.constant 1 : i32
      %add3A_109 = arith.addi %add3A_91, %add3A_108 : i32
      %min3A_110 = arith.constant 24 : i32
      %min3A_111 = arith.minsi %add3A_109, %min3A_110 : i32
      %mul3A_112 = arith.constant 25 : i32
      %mul3A_113 = arith.muli %add3A, %mul3A_112 : i32
      %add3A_114 = arith.addi %mul3A_113, %min3A_111 : i32
      %mul3A_115 = arith.constant 8000 : i32
      %mul3A_116 = arith.muli %add3A_114, %mul3A_115 : i32
      %dma_start3A_117 = tpu.memref_slice %arg2[%mul3A_116] : memref<6400000xi32, #tpu.memory_space<hbm>> -> memref<8000xi32, #tpu.memory_space<hbm>>
      %dma_start3A_118 = tpu.memref_slice %arg2[%mul3A_116] : memref<6400000xi32, #tpu.memory_space<hbm>> -> memref<8000xi32, #tpu.memory_space<hbm>>
      tpu.enqueue_dma source(%dma_start3A_118 : memref<8000xi32, #tpu.memory_space<hbm>>) target(%arg9 : memref<8000xi32, #tpu.memory_space<vmem>>) target_semaphore(%arg21 : memref<!tpu.dma_semaphore, #tpu.memory_space<semaphore_mem>>)
      %mul3A_119 = arith.constant 25 : i32
      %mul3A_120 = arith.muli %add3A, %mul3A_119 : i32
      %add3A_121 = arith.addi %mul3A_120, %min3A_111 : i32
      %mul3A_122 = arith.constant 8000 : i32
      %mul3A_123 = arith.muli %add3A_121, %mul3A_122 : i32
      %dma_start3A_124 = tpu.memref_slice %arg3[%mul3A_123] : memref<6400000xi32, #tpu.memory_space<hbm>> -> memref<8000xi32, #tpu.memory_space<hbm>>
      %dma_start3A_125 = tpu.memref_slice %arg3[%mul3A_123] : memref<6400000xi32, #tpu.memory_space<hbm>> -> memref<8000xi32, #tpu.memory_space<hbm>>
      tpu.enqueue_dma source(%dma_start3A_125 : memref<8000xi32, #tpu.memory_space<hbm>>) target(%arg11 : memref<8000xi32, #tpu.memory_space<vmem>>) target_semaphore(%arg21 : memref<!tpu.dma_semaphore, #tpu.memory_space<semaphore_mem>>)
      %dma_wait3A_126 = arith.constant 0 : i32
      %dma_wait3A_127 = tpu.memref_slice %arg19[%dma_wait3A_126] : memref<102400xf32, #tpu.memory_space<vmem_shared>> -> memref<102400xf32, #tpu.memory_space<vmem_shared>>
      tpu.wait_indirect_dma semaphore(%arg24 : memref<!tpu.dma_semaphore, #tpu.memory_space<semaphore_mem>>) src(%dma_wait3A_127 : memref<102400xf32, #tpu.memory_space<vmem_shared>>) dst(%arg14 : memref<8000xf32, #tpu.memory_space<vmem>>)
      %dma_wait3A_128 = arith.constant 0 : i32
      %dma_wait3A_129 = tpu.memref_slice %arg20[%dma_wait3A_128] : memref<102400xf32, #tpu.memory_space<vmem_shared>> -> memref<102400xf32, #tpu.memory_space<vmem_shared>>
      tpu.wait_indirect_dma semaphore(%arg24 : memref<!tpu.dma_semaphore, #tpu.memory_space<semaphore_mem>>) src(%dma_wait3A_129 : memref<102400xf32, #tpu.memory_space<vmem_shared>>) dst(%arg16 : memref<8000xf32, #tpu.memory_space<vmem>>)
      %dma_start3A_130 = arith.constant 0 : i32
      %dma_start3A_131 = tpu.memref_slice %arg17[%dma_start3A_130] : memref<102400xf32, #tpu.memory_space<vmem_shared>> -> memref<102400xf32, #tpu.memory_space<vmem_shared>>
      tpu.enqueue_indirect_dma source(%arg14 : memref<8000xf32, #tpu.memory_space<vmem>>) target(%dma_start3A_131 : memref<102400xf32, #tpu.memory_space<vmem_shared>>) offsets(%arg12 : memref<8000xi32, #tpu.memory_space<vmem>>) semaphore(%arg26 : memref<!tpu.dma_semaphore, #tpu.memory_space<semaphore_mem>>) {add = true}
      %dma_start3A_132 = arith.constant 0 : i32
      %dma_start3A_133 = tpu.memref_slice %arg18[%dma_start3A_132] : memref<102400xf32, #tpu.memory_space<vmem_shared>> -> memref<102400xf32, #tpu.memory_space<vmem_shared>>
      tpu.enqueue_indirect_dma source(%arg16 : memref<8000xf32, #tpu.memory_space<vmem>>) target(%dma_start3A_133 : memref<102400xf32, #tpu.memory_space<vmem_shared>>) offsets(%arg12 : memref<8000xi32, #tpu.memory_space<vmem>>) semaphore(%arg26 : memref<!tpu.dma_semaphore, #tpu.memory_space<semaphore_mem>>) {add = true}
      %add3A_134 = arith.constant 1 : i32
      %add3A_135 = arith.addi %add3A_91, %add3A_134 : i32
      %dma_wait3A_136 = arith.constant 0 : i32
      %dma_wait3A_137 = tpu.memref_slice %arg2[%dma_wait3A_136] : memref<6400000xi32, #tpu.memory_space<hbm>> -> memref<8000xi32, #tpu.memory_space<hbm>>
      %dma_wait3A_138 = arith.constant 0 : i32
      %dma_wait3A_139 = tpu.memref_slice %arg2[%dma_wait3A_138] : memref<6400000xi32, #tpu.memory_space<hbm>> -> memref<8000xi32, #tpu.memory_space<hbm>>
      tpu.wait_dma2 semaphore(%arg21 : memref<!tpu.dma_semaphore, #tpu.memory_space<semaphore_mem>>) src(%dma_wait3A_139 : memref<8000xi32, #tpu.memory_space<hbm>>) dst(%arg9 : memref<8000xi32, #tpu.memory_space<vmem>>)
      %dma_wait3A_140 = arith.constant 0 : i32
      %dma_wait3A_141 = tpu.memref_slice %arg3[%dma_wait3A_140] : memref<6400000xi32, #tpu.memory_space<hbm>> -> memref<8000xi32, #tpu.memory_space<hbm>>
      %dma_wait3A_142 = arith.constant 0 : i32
      %dma_wait3A_143 = tpu.memref_slice %arg3[%dma_wait3A_142] : memref<6400000xi32, #tpu.memory_space<hbm>> -> memref<8000xi32, #tpu.memory_space<hbm>>
      tpu.wait_dma2 semaphore(%arg21 : memref<!tpu.dma_semaphore, #tpu.memory_space<semaphore_mem>>) src(%dma_wait3A_143 : memref<8000xi32, #tpu.memory_space<hbm>>) dst(%arg11 : memref<8000xi32, #tpu.memory_space<vmem>>)
      %dma_start3A_144 = arith.constant 0 : i32
      %dma_start3A_145 = tpu.memref_slice %arg19[%dma_start3A_144] : memref<102400xf32, #tpu.memory_space<vmem_shared>> -> memref<102400xf32, #tpu.memory_space<vmem_shared>>
      tpu.enqueue_indirect_dma source(%dma_start3A_145 : memref<102400xf32, #tpu.memory_space<vmem_shared>>) target(%arg13 : memref<8000xf32, #tpu.memory_space<vmem>>) offsets(%arg9 : memref<8000xi32, #tpu.memory_space<vmem>>) semaphore(%arg23 : memref<!tpu.dma_semaphore, #tpu.memory_space<semaphore_mem>>)
      %dma_start3A_146 = arith.constant 0 : i32
      %dma_start3A_147 = tpu.memref_slice %arg20[%dma_start3A_146] : memref<102400xf32, #tpu.memory_space<vmem_shared>> -> memref<102400xf32, #tpu.memory_space<vmem_shared>>
      tpu.enqueue_indirect_dma source(%dma_start3A_147 : memref<102400xf32, #tpu.memory_space<vmem_shared>>) target(%arg15 : memref<8000xf32, #tpu.memory_space<vmem>>) offsets(%arg9 : memref<8000xi32, #tpu.memory_space<vmem>>) semaphore(%arg23 : memref<!tpu.dma_semaphore, #tpu.memory_space<semaphore_mem>>)
      %dma_wait3A_148 = arith.constant 0 : i32
      %dma_wait3A_149 = tpu.memref_slice %arg17[%dma_wait3A_148] : memref<102400xf32, #tpu.memory_space<vmem_shared>> -> memref<102400xf32, #tpu.memory_space<vmem_shared>>
      tpu.wait_indirect_dma semaphore(%arg26 : memref<!tpu.dma_semaphore, #tpu.memory_space<semaphore_mem>>) src(%arg14 : memref<8000xf32, #tpu.memory_space<vmem>>) dst(%dma_wait3A_149 : memref<102400xf32, #tpu.memory_space<vmem_shared>>)
      %dma_wait3A_150 = arith.constant 0 : i32
      %dma_wait3A_151 = tpu.memref_slice %arg18[%dma_wait3A_150] : memref<102400xf32, #tpu.memory_space<vmem_shared>> -> memref<102400xf32, #tpu.memory_space<vmem_shared>>
      tpu.wait_indirect_dma semaphore(%arg26 : memref<!tpu.dma_semaphore, #tpu.memory_space<semaphore_mem>>) src(%arg16 : memref<8000xf32, #tpu.memory_space<vmem>>) dst(%dma_wait3A_151 : memref<102400xf32, #tpu.memory_space<vmem_shared>>)
      %add3A_152 = arith.constant 1 : i32
      %add3A_153 = arith.addi %add3A_135, %add3A_152 : i32
      %min3A_154 = arith.constant 24 : i32
      %min3A_155 = arith.minsi %add3A_153, %min3A_154 : i32
      %mul3A_156 = arith.constant 25 : i32
      %mul3A_157 = arith.muli %add3A, %mul3A_156 : i32
      %add3A_158 = arith.addi %mul3A_157, %min3A_155 : i32
      %mul3A_159 = arith.constant 8000 : i32
      %mul3A_160 = arith.muli %add3A_158, %mul3A_159 : i32
      %dma_start3A_161 = tpu.memref_slice %arg2[%mul3A_160] : memref<6400000xi32, #tpu.memory_space<hbm>> -> memref<8000xi32, #tpu.memory_space<hbm>>
      %dma_start3A_162 = tpu.memref_slice %arg2[%mul3A_160] : memref<6400000xi32, #tpu.memory_space<hbm>> -> memref<8000xi32, #tpu.memory_space<hbm>>
      tpu.enqueue_dma source(%dma_start3A_162 : memref<8000xi32, #tpu.memory_space<hbm>>) target(%arg10 : memref<8000xi32, #tpu.memory_space<vmem>>) target_semaphore(%arg22 : memref<!tpu.dma_semaphore, #tpu.memory_space<semaphore_mem>>)
      %mul3A_163 = arith.constant 25 : i32
      %mul3A_164 = arith.muli %add3A, %mul3A_163 : i32
      %add3A_165 = arith.addi %mul3A_164, %min3A_155 : i32
      %mul3A_166 = arith.constant 8000 : i32
      %mul3A_167 = arith.muli %add3A_165, %mul3A_166 : i32
      %dma_start3A_168 = tpu.memref_slice %arg3[%mul3A_167] : memref<6400000xi32, #tpu.memory_space<hbm>> -> memref<8000xi32, #tpu.memory_space<hbm>>
      %dma_start3A_169 = tpu.memref_slice %arg3[%mul3A_167] : memref<6400000xi32, #tpu.memory_space<hbm>> -> memref<8000xi32, #tpu.memory_space<hbm>>
      tpu.enqueue_dma source(%dma_start3A_169 : memref<8000xi32, #tpu.memory_space<hbm>>) target(%arg12 : memref<8000xi32, #tpu.memory_space<vmem>>) target_semaphore(%arg22 : memref<!tpu.dma_semaphore, #tpu.memory_space<semaphore_mem>>)
      %dma_wait3A_170 = arith.constant 0 : i32
      %dma_wait3A_171 = tpu.memref_slice %arg19[%dma_wait3A_170] : memref<102400xf32, #tpu.memory_space<vmem_shared>> -> memref<102400xf32, #tpu.memory_space<vmem_shared>>
      tpu.wait_indirect_dma semaphore(%arg23 : memref<!tpu.dma_semaphore, #tpu.memory_space<semaphore_mem>>) src(%dma_wait3A_171 : memref<102400xf32, #tpu.memory_space<vmem_shared>>) dst(%arg13 : memref<8000xf32, #tpu.memory_space<vmem>>)
      %dma_wait3A_172 = arith.constant 0 : i32
      %dma_wait3A_173 = tpu.memref_slice %arg20[%dma_wait3A_172] : memref<102400xf32, #tpu.memory_space<vmem_shared>> -> memref<102400xf32, #tpu.memory_space<vmem_shared>>
      tpu.wait_indirect_dma semaphore(%arg23 : memref<!tpu.dma_semaphore, #tpu.memory_space<semaphore_mem>>) src(%dma_wait3A_173 : memref<102400xf32, #tpu.memory_space<vmem_shared>>) dst(%arg15 : memref<8000xf32, #tpu.memory_space<vmem>>)
      %dma_start3A_174 = arith.constant 0 : i32
      %dma_start3A_175 = tpu.memref_slice %arg17[%dma_start3A_174] : memref<102400xf32, #tpu.memory_space<vmem_shared>> -> memref<102400xf32, #tpu.memory_space<vmem_shared>>
      tpu.enqueue_indirect_dma source(%arg13 : memref<8000xf32, #tpu.memory_space<vmem>>) target(%dma_start3A_175 : memref<102400xf32, #tpu.memory_space<vmem_shared>>) offsets(%arg11 : memref<8000xi32, #tpu.memory_space<vmem>>) semaphore(%arg25 : memref<!tpu.dma_semaphore, #tpu.memory_space<semaphore_mem>>) {add = true}
      %dma_start3A_176 = arith.constant 0 : i32
      %dma_start3A_177 = tpu.memref_slice %arg18[%dma_start3A_176] : memref<102400xf32, #tpu.memory_space<vmem_shared>> -> memref<102400xf32, #tpu.memory_space<vmem_shared>>
      tpu.enqueue_indirect_dma source(%arg15 : memref<8000xf32, #tpu.memory_space<vmem>>) target(%dma_start3A_177 : memref<102400xf32, #tpu.memory_space<vmem_shared>>) offsets(%arg11 : memref<8000xi32, #tpu.memory_space<vmem>>) semaphore(%arg25 : memref<!tpu.dma_semaphore, #tpu.memory_space<semaphore_mem>>) {add = true}
    }
    %scan3A_71 = arith.constant 12 : i32
    %dma_wait3A_72 = arith.constant 0 : i32
    %dma_wait3A_73 = tpu.memref_slice %arg2[%dma_wait3A_72] : memref<6400000xi32, #tpu.memory_space<hbm>> -> memref<8000xi32, #tpu.memory_space<hbm>>
    %dma_wait3A_74 = arith.constant 0 : i32
    %dma_wait3A_75 = tpu.memref_slice %arg2[%dma_wait3A_74] : memref<6400000xi32, #tpu.memory_space<hbm>> -> memref<8000xi32, #tpu.memory_space<hbm>>
    tpu.wait_dma2 semaphore(%arg22 : memref<!tpu.dma_semaphore, #tpu.memory_space<semaphore_mem>>) src(%dma_wait3A_75 : memref<8000xi32, #tpu.memory_space<hbm>>) dst(%arg10 : memref<8000xi32, #tpu.memory_space<vmem>>)
    %dma_wait3A_76 = arith.constant 0 : i32
    %dma_wait3A_77 = tpu.memref_slice %arg3[%dma_wait3A_76] : memref<6400000xi32, #tpu.memory_space<hbm>> -> memref<8000xi32, #tpu.memory_space<hbm>>
    %dma_wait3A_78 = arith.constant 0 : i32
    %dma_wait3A_79 = tpu.memref_slice %arg3[%dma_wait3A_78] : memref<6400000xi32, #tpu.memory_space<hbm>> -> memref<8000xi32, #tpu.memory_space<hbm>>
    tpu.wait_dma2 semaphore(%arg22 : memref<!tpu.dma_semaphore, #tpu.memory_space<semaphore_mem>>) src(%dma_wait3A_79 : memref<8000xi32, #tpu.memory_space<hbm>>) dst(%arg12 : memref<8000xi32, #tpu.memory_space<vmem>>)
    %dma_wait3A_80 = arith.constant 0 : i32
    %dma_wait3A_81 = tpu.memref_slice %arg17[%dma_wait3A_80] : memref<102400xf32, #tpu.memory_space<vmem_shared>> -> memref<102400xf32, #tpu.memory_space<vmem_shared>>
    tpu.wait_indirect_dma semaphore(%arg25 : memref<!tpu.dma_semaphore, #tpu.memory_space<semaphore_mem>>) src(%arg13 : memref<8000xf32, #tpu.memory_space<vmem>>) dst(%dma_wait3A_81 : memref<102400xf32, #tpu.memory_space<vmem_shared>>)
    %dma_wait3A_82 = arith.constant 0 : i32
    %dma_wait3A_83 = tpu.memref_slice %arg18[%dma_wait3A_82] : memref<102400xf32, #tpu.memory_space<vmem_shared>> -> memref<102400xf32, #tpu.memory_space<vmem_shared>>
    tpu.wait_indirect_dma semaphore(%arg25 : memref<!tpu.dma_semaphore, #tpu.memory_space<semaphore_mem>>) src(%arg15 : memref<8000xf32, #tpu.memory_space<vmem>>) dst(%dma_wait3A_83 : memref<102400xf32, #tpu.memory_space<vmem_shared>>)
    %barrier3A_84 = arith.constant 0 : index
    tpu.barrier barrier_id(%barrier3A_84)
    %eq3A = arith.constant 0 : i32
    %eq3A_85 = arith.cmpi eq, %arg1, %eq3A : i32
    %convert_element_type3A = arith.extui %eq3A_85 : i1 to i32
    %cond3A = arith.constant 0 : i32
    %cond3A_86 = arith.cmpi ne, %convert_element_type3A, %cond3A : i32
    scf.if %cond3A_86 {
      "tpu.region"() ({
        %run_scoped3A = tpu.sem_alloc : memref<!tpu.dma_semaphore, #tpu.memory_space<semaphore_mem>>
        %dma_start3A_87 = arith.constant 0 : i32
        %dma_start3A_88 = tpu.memref_slice %arg7[%arg0, %dma_start3A_87] : memref<2x102400xf32, #tpu.memory_space<hbm>> -> memref<1x102400xf32, #tpu.memory_space<hbm>>
        %dma_start3A_89 = tpu.memref_squeeze %dma_start3A_88 : memref<1x102400xf32, #tpu.memory_space<hbm>> -> memref<102400xf32, #tpu.memory_space<hbm>>
        tpu.enqueue_dma source(%arg17 : memref<102400xf32, #tpu.memory_space<vmem_shared>>) target(%dma_start3A_89 : memref<102400xf32, #tpu.memory_space<hbm>>) target_semaphore(%run_scoped3A : memref<!tpu.dma_semaphore, #tpu.memory_space<semaphore_mem>>)
        %dma_wait3A_90 = arith.constant 0 : i32
        %dma_wait3A_91 = tpu.memref_slice %arg7[%arg0, %dma_wait3A_90] : memref<2x102400xf32, #tpu.memory_space<hbm>> -> memref<1x102400xf32, #tpu.memory_space<hbm>>
        %dma_wait3A_92 = tpu.memref_squeeze %dma_wait3A_91 : memref<1x102400xf32, #tpu.memory_space<hbm>> -> memref<102400xf32, #tpu.memory_space<hbm>>
        tpu.wait_dma2 semaphore(%run_scoped3A : memref<!tpu.dma_semaphore, #tpu.memory_space<semaphore_mem>>) src(%arg17 : memref<102400xf32, #tpu.memory_space<vmem_shared>>) dst(%dma_wait3A_92 : memref<102400xf32, #tpu.memory_space<hbm>>)
        tpu.yield
      }) : () -> ()
      "tpu.region"() ({
        %run_scoped3A = tpu.sem_alloc : memref<!tpu.dma_semaphore, #tpu.memory_space<semaphore_mem>>
        %dma_start3A_87 = arith.constant 0 : i32
        %dma_start3A_88 = tpu.memref_slice %arg8[%arg0, %dma_start3A_87] : memref<2x102400xf32, #tpu.memory_space<hbm>> -> memref<1x102400xf32, #tpu.memory_space<hbm>>
        %dma_start3A_89 = tpu.memref_squeeze %dma_start3A_88 : memref<1x102400xf32, #tpu.memory_space<hbm>> -> memref<102400xf32, #tpu.memory_space<hbm>>
        tpu.enqueue_dma source(%arg18 : memref<102400xf32, #tpu.memory_space<vmem_shared>>) target(%dma_start3A_89 : memref<102400xf32, #tpu.memory_space<hbm>>) target_semaphore(%run_scoped3A : memref<!tpu.dma_semaphore, #tpu.memory_space<semaphore_mem>>)
        %dma_wait3A_90 = arith.constant 0 : i32
        %dma_wait3A_91 = tpu.memref_slice %arg8[%arg0, %dma_wait3A_90] : memref<2x102400xf32, #tpu.memory_space<hbm>> -> memref<1x102400xf32, #tpu.memory_space<hbm>>
        %dma_wait3A_92 = tpu.memref_squeeze %dma_wait3A_91 : memref<1x102400xf32, #tpu.memory_space<hbm>> -> memref<102400xf32, #tpu.memory_space<hbm>>
        tpu.wait_dma2 semaphore(%run_scoped3A : memref<!tpu.dma_semaphore, #tpu.memory_space<semaphore_mem>>) src(%arg18 : memref<102400xf32, #tpu.memory_space<vmem_shared>>) dst(%dma_wait3A_92 : memref<102400xf32, #tpu.memory_space<hbm>>)
        tpu.yield
      }) : () -> ()
    } else {
    }
    return
  }
}

#map = affine_map<(d0, d1) -> (0)>
#map1 = affine_map<(d0, d1) -> (0, 0)>
module attributes {stable_mosaic.version = 14 : i64} {
  func.func @body(%arg0: i32, %arg1: i32, %arg2: memref<6400000xi32, #tpu.memory_space<hbm>>, %arg3: memref<8000xf32, #tpu.memory_space<hbm>>, %arg4: memref<102400xf32, #tpu.memory_space<hbm>>, %arg5: memref<2x102400xf32, #tpu.memory_space<hbm>>, %arg6: memref<8000xi32, #tpu.memory_space<vmem>>, %arg7: memref<8000xi32, #tpu.memory_space<vmem>>, %arg8: memref<8000xf32, #tpu.memory_space<vmem>>, %arg9: memref<102400xf32, #tpu.memory_space<vmem_shared>>, %arg10: memref<!tpu.dma_semaphore, #tpu.memory_space<semaphore_mem>>, %arg11: memref<!tpu.dma_semaphore, #tpu.memory_space<semaphore_mem>>, %arg12: memref<!tpu.dma_semaphore, #tpu.memory_space<semaphore_mem>>, %arg13: memref<!tpu.dma_semaphore, #tpu.memory_space<semaphore_mem>>) attributes {dimension_semantics = [#tpu.dimension_semantics<core_parallel>, #tpu.dimension_semantics<subcore_parallel>], iteration_bounds = array<i64: 2, 16>, scalar_prefetch = 0 : i64, scratch_operands = 8 : i64, tpu.core_type = #tpu.core_type<sc_vector_subcore>, window_params = [{transform_indices = #map}, {transform_indices = #map}, {transform_indices = #map}, {transform_indices = #map1}]} {
    "tpu.region"() ({
      %run_scoped3A = tpu.sem_alloc : memref<!tpu.dma_semaphore, #tpu.memory_space<semaphore_mem>>
      tpu.enqueue_dma source(%arg3 : memref<8000xf32, #tpu.memory_space<hbm>>) target(%arg8 : memref<8000xf32, #tpu.memory_space<vmem>>) target_semaphore(%run_scoped3A : memref<!tpu.dma_semaphore, #tpu.memory_space<semaphore_mem>>)
      tpu.wait_dma2 semaphore(%run_scoped3A : memref<!tpu.dma_semaphore, #tpu.memory_space<semaphore_mem>>) src(%arg3 : memref<8000xf32, #tpu.memory_space<hbm>>) dst(%arg8 : memref<8000xf32, #tpu.memory_space<vmem>>)
      tpu.yield
    }) : () -> ()
    %mul3A = arith.constant 6400 : i32
    %mul3A_0 = arith.muli %arg1, %mul3A : i32
    %mul3A_1 = arith.constant 6400 : i32
    %mul3A_2 = arith.muli %arg1, %mul3A_1 : i32
    "tpu.region"() ({
      %run_scoped3A = tpu.sem_alloc : memref<!tpu.dma_semaphore, #tpu.memory_space<semaphore_mem>>
      %dma_start3A_40 = tpu.memref_slice %arg9[%mul3A_2] : memref<102400xf32, #tpu.memory_space<vmem_shared>> -> memref<6400xf32, #tpu.memory_space<vmem_shared>>
      %dma_start3A_41 = tpu.memref_slice %arg4[%mul3A_0] : memref<102400xf32, #tpu.memory_space<hbm>> -> memref<6400xf32, #tpu.memory_space<hbm>>
      tpu.enqueue_dma source(%dma_start3A_41 : memref<6400xf32, #tpu.memory_space<hbm>>) target(%dma_start3A_40 : memref<6400xf32, #tpu.memory_space<vmem_shared>>) target_semaphore(%run_scoped3A : memref<!tpu.dma_semaphore, #tpu.memory_space<semaphore_mem>>)
      %dma_wait3A_42 = tpu.memref_slice %arg9[%mul3A_2] : memref<102400xf32, #tpu.memory_space<vmem_shared>> -> memref<6400xf32, #tpu.memory_space<vmem_shared>>
      %dma_wait3A_43 = tpu.memref_slice %arg4[%mul3A_0] : memref<102400xf32, #tpu.memory_space<hbm>> -> memref<6400xf32, #tpu.memory_space<hbm>>
      tpu.wait_dma2 semaphore(%run_scoped3A : memref<!tpu.dma_semaphore, #tpu.memory_space<semaphore_mem>>) src(%dma_wait3A_43 : memref<6400xf32, #tpu.memory_space<hbm>>) dst(%dma_wait3A_42 : memref<6400xf32, #tpu.memory_space<vmem_shared>>)
      tpu.yield
    }) : () -> ()
    %barrier3A = arith.constant 0 : index
    tpu.barrier barrier_id(%barrier3A)
    %mul3A_3 = arith.constant 16 : i32
    %mul3A_4 = arith.muli %arg0, %mul3A_3 : i32
    %add3A = arith.addi %mul3A_4, %arg1 : i32
    %mul3A_5 = arith.constant 25 : i32
    %mul3A_6 = arith.muli %add3A, %mul3A_5 : i32
    %add3A_7 = arith.constant 0 : i32
    %add3A_8 = arith.addi %mul3A_6, %add3A_7 : i32
    %mul3A_9 = arith.constant 8000 : i32
    %mul3A_10 = arith.muli %add3A_8, %mul3A_9 : i32
    %dma_start3A = tpu.memref_slice %arg2[%mul3A_10] : memref<6400000xi32, #tpu.memory_space<hbm>> -> memref<8000xi32, #tpu.memory_space<hbm>>
    %dma_start3A_11 = tpu.memref_slice %arg2[%mul3A_10] : memref<6400000xi32, #tpu.memory_space<hbm>> -> memref<8000xi32, #tpu.memory_space<hbm>>
    tpu.enqueue_dma source(%dma_start3A_11 : memref<8000xi32, #tpu.memory_space<hbm>>) target(%arg6 : memref<8000xi32, #tpu.memory_space<vmem>>) target_semaphore(%arg10 : memref<!tpu.dma_semaphore, #tpu.memory_space<semaphore_mem>>)
    %dma_wait3A = arith.constant 0 : i32
    %dma_wait3A_12 = tpu.memref_slice %arg2[%dma_wait3A] : memref<6400000xi32, #tpu.memory_space<hbm>> -> memref<8000xi32, #tpu.memory_space<hbm>>
    %dma_wait3A_13 = arith.constant 0 : i32
    %dma_wait3A_14 = tpu.memref_slice %arg2[%dma_wait3A_13] : memref<6400000xi32, #tpu.memory_space<hbm>> -> memref<8000xi32, #tpu.memory_space<hbm>>
    tpu.wait_dma2 semaphore(%arg10 : memref<!tpu.dma_semaphore, #tpu.memory_space<semaphore_mem>>) src(%dma_wait3A_14 : memref<8000xi32, #tpu.memory_space<hbm>>) dst(%arg6 : memref<8000xi32, #tpu.memory_space<vmem>>)
    %min3A = arith.constant 1 : i32
    %min3A_15 = arith.constant 24 : i32
    %min3A_16 = arith.minsi %min3A, %min3A_15 : i32
    %mul3A_17 = arith.constant 25 : i32
    %mul3A_18 = arith.muli %add3A, %mul3A_17 : i32
    %add3A_19 = arith.addi %mul3A_18, %min3A_16 : i32
    %mul3A_20 = arith.constant 8000 : i32
    %mul3A_21 = arith.muli %add3A_19, %mul3A_20 : i32
    %dma_start3A_22 = tpu.memref_slice %arg2[%mul3A_21] : memref<6400000xi32, #tpu.memory_space<hbm>> -> memref<8000xi32, #tpu.memory_space<hbm>>
    %dma_start3A_23 = tpu.memref_slice %arg2[%mul3A_21] : memref<6400000xi32, #tpu.memory_space<hbm>> -> memref<8000xi32, #tpu.memory_space<hbm>>
    tpu.enqueue_dma source(%dma_start3A_23 : memref<8000xi32, #tpu.memory_space<hbm>>) target(%arg7 : memref<8000xi32, #tpu.memory_space<vmem>>) target_semaphore(%arg11 : memref<!tpu.dma_semaphore, #tpu.memory_space<semaphore_mem>>)
    %dma_start3A_24 = arith.constant 0 : i32
    %dma_start3A_25 = tpu.memref_slice %arg9[%dma_start3A_24] : memref<102400xf32, #tpu.memory_space<vmem_shared>> -> memref<102400xf32, #tpu.memory_space<vmem_shared>>
    tpu.enqueue_indirect_dma source(%arg8 : memref<8000xf32, #tpu.memory_space<vmem>>) target(%dma_start3A_25 : memref<102400xf32, #tpu.memory_space<vmem_shared>>) offsets(%arg6 : memref<8000xi32, #tpu.memory_space<vmem>>) semaphore(%arg12 : memref<!tpu.dma_semaphore, #tpu.memory_space<semaphore_mem>>) {add = true}
    %scan3A = arith.constant 0 : i32
    %scan3A_26 = arith.constant 0 : i32
    %scan3A_27 = arith.constant 12 : i32
    %scan3A_28 = arith.addi %scan3A_26, %scan3A_27 : i32
    %scan3A_29 = arith.constant 1 : i32
    scf.for %scan3A_40 = %scan3A_26 to %scan3A_28 step %scan3A_29  : i32 {
      %mul3A_41 = arith.constant 2 : i32
      %mul3A_42 = arith.muli %mul3A_41, %scan3A_40 : i32
      %add3A_43 = arith.constant 1 : i32
      %add3A_44 = arith.addi %mul3A_42, %add3A_43 : i32
      %dma_wait3A_45 = arith.constant 0 : i32
      %dma_wait3A_46 = tpu.memref_slice %arg2[%dma_wait3A_45] : memref<6400000xi32, #tpu.memory_space<hbm>> -> memref<8000xi32, #tpu.memory_space<hbm>>
      %dma_wait3A_47 = arith.constant 0 : i32
      %dma_wait3A_48 = tpu.memref_slice %arg2[%dma_wait3A_47] : memref<6400000xi32, #tpu.memory_space<hbm>> -> memref<8000xi32, #tpu.memory_space<hbm>>
      tpu.wait_dma2 semaphore(%arg11 : memref<!tpu.dma_semaphore, #tpu.memory_space<semaphore_mem>>) src(%dma_wait3A_48 : memref<8000xi32, #tpu.memory_space<hbm>>) dst(%arg7 : memref<8000xi32, #tpu.memory_space<vmem>>)
      %dma_wait3A_49 = arith.constant 0 : i32
      %dma_wait3A_50 = tpu.memref_slice %arg9[%dma_wait3A_49] : memref<102400xf32, #tpu.memory_space<vmem_shared>> -> memref<102400xf32, #tpu.memory_space<vmem_shared>>
      tpu.wait_indirect_dma semaphore(%arg12 : memref<!tpu.dma_semaphore, #tpu.memory_space<semaphore_mem>>) src(%arg8 : memref<8000xf32, #tpu.memory_space<vmem>>) dst(%dma_wait3A_50 : memref<102400xf32, #tpu.memory_space<vmem_shared>>)
      %add3A_51 = arith.constant 1 : i32
      %add3A_52 = arith.addi %add3A_44, %add3A_51 : i32
      %min3A_53 = arith.constant 24 : i32
      %min3A_54 = arith.minsi %add3A_52, %min3A_53 : i32
      %mul3A_55 = arith.constant 25 : i32
      %mul3A_56 = arith.muli %add3A, %mul3A_55 : i32
      %add3A_57 = arith.addi %mul3A_56, %min3A_54 : i32
      %mul3A_58 = arith.constant 8000 : i32
      %mul3A_59 = arith.muli %add3A_57, %mul3A_58 : i32
      %dma_start3A_60 = tpu.memref_slice %arg2[%mul3A_59] : memref<6400000xi32, #tpu.memory_space<hbm>> -> memref<8000xi32, #tpu.memory_space<hbm>>
      %dma_start3A_61 = tpu.memref_slice %arg2[%mul3A_59] : memref<6400000xi32, #tpu.memory_space<hbm>> -> memref<8000xi32, #tpu.memory_space<hbm>>
      tpu.enqueue_dma source(%dma_start3A_61 : memref<8000xi32, #tpu.memory_space<hbm>>) target(%arg6 : memref<8000xi32, #tpu.memory_space<vmem>>) target_semaphore(%arg10 : memref<!tpu.dma_semaphore, #tpu.memory_space<semaphore_mem>>)
      %dma_start3A_62 = arith.constant 0 : i32
      %dma_start3A_63 = tpu.memref_slice %arg9[%dma_start3A_62] : memref<102400xf32, #tpu.memory_space<vmem_shared>> -> memref<102400xf32, #tpu.memory_space<vmem_shared>>
      tpu.enqueue_indirect_dma source(%arg8 : memref<8000xf32, #tpu.memory_space<vmem>>) target(%dma_start3A_63 : memref<102400xf32, #tpu.memory_space<vmem_shared>>) offsets(%arg7 : memref<8000xi32, #tpu.memory_space<vmem>>) semaphore(%arg13 : memref<!tpu.dma_semaphore, #tpu.memory_space<semaphore_mem>>) {add = true}
      %add3A_64 = arith.constant 1 : i32
      %add3A_65 = arith.addi %add3A_44, %add3A_64 : i32
      %dma_wait3A_66 = arith.constant 0 : i32
      %dma_wait3A_67 = tpu.memref_slice %arg2[%dma_wait3A_66] : memref<6400000xi32, #tpu.memory_space<hbm>> -> memref<8000xi32, #tpu.memory_space<hbm>>
      %dma_wait3A_68 = arith.constant 0 : i32
      %dma_wait3A_69 = tpu.memref_slice %arg2[%dma_wait3A_68] : memref<6400000xi32, #tpu.memory_space<hbm>> -> memref<8000xi32, #tpu.memory_space<hbm>>
      tpu.wait_dma2 semaphore(%arg10 : memref<!tpu.dma_semaphore, #tpu.memory_space<semaphore_mem>>) src(%dma_wait3A_69 : memref<8000xi32, #tpu.memory_space<hbm>>) dst(%arg6 : memref<8000xi32, #tpu.memory_space<vmem>>)
      %dma_wait3A_70 = arith.constant 0 : i32
      %dma_wait3A_71 = tpu.memref_slice %arg9[%dma_wait3A_70] : memref<102400xf32, #tpu.memory_space<vmem_shared>> -> memref<102400xf32, #tpu.memory_space<vmem_shared>>
      tpu.wait_indirect_dma semaphore(%arg13 : memref<!tpu.dma_semaphore, #tpu.memory_space<semaphore_mem>>) src(%arg8 : memref<8000xf32, #tpu.memory_space<vmem>>) dst(%dma_wait3A_71 : memref<102400xf32, #tpu.memory_space<vmem_shared>>)
      %add3A_72 = arith.constant 1 : i32
      %add3A_73 = arith.addi %add3A_65, %add3A_72 : i32
      %min3A_74 = arith.constant 24 : i32
      %min3A_75 = arith.minsi %add3A_73, %min3A_74 : i32
      %mul3A_76 = arith.constant 25 : i32
      %mul3A_77 = arith.muli %add3A, %mul3A_76 : i32
      %add3A_78 = arith.addi %mul3A_77, %min3A_75 : i32
      %mul3A_79 = arith.constant 8000 : i32
      %mul3A_80 = arith.muli %add3A_78, %mul3A_79 : i32
      %dma_start3A_81 = tpu.memref_slice %arg2[%mul3A_80] : memref<6400000xi32, #tpu.memory_space<hbm>> -> memref<8000xi32, #tpu.memory_space<hbm>>
      %dma_start3A_82 = tpu.memref_slice %arg2[%mul3A_80] : memref<6400000xi32, #tpu.memory_space<hbm>> -> memref<8000xi32, #tpu.memory_space<hbm>>
      tpu.enqueue_dma source(%dma_start3A_82 : memref<8000xi32, #tpu.memory_space<hbm>>) target(%arg7 : memref<8000xi32, #tpu.memory_space<vmem>>) target_semaphore(%arg11 : memref<!tpu.dma_semaphore, #tpu.memory_space<semaphore_mem>>)
      %dma_start3A_83 = arith.constant 0 : i32
      %dma_start3A_84 = tpu.memref_slice %arg9[%dma_start3A_83] : memref<102400xf32, #tpu.memory_space<vmem_shared>> -> memref<102400xf32, #tpu.memory_space<vmem_shared>>
      tpu.enqueue_indirect_dma source(%arg8 : memref<8000xf32, #tpu.memory_space<vmem>>) target(%dma_start3A_84 : memref<102400xf32, #tpu.memory_space<vmem_shared>>) offsets(%arg6 : memref<8000xi32, #tpu.memory_space<vmem>>) semaphore(%arg12 : memref<!tpu.dma_semaphore, #tpu.memory_space<semaphore_mem>>) {add = true}
    }
    %scan3A_30 = arith.constant 12 : i32
    %dma_wait3A_31 = arith.constant 0 : i32
    %dma_wait3A_32 = tpu.memref_slice %arg2[%dma_wait3A_31] : memref<6400000xi32, #tpu.memory_space<hbm>> -> memref<8000xi32, #tpu.memory_space<hbm>>
    %dma_wait3A_33 = arith.constant 0 : i32
    %dma_wait3A_34 = tpu.memref_slice %arg2[%dma_wait3A_33] : memref<6400000xi32, #tpu.memory_space<hbm>> -> memref<8000xi32, #tpu.memory_space<hbm>>
    tpu.wait_dma2 semaphore(%arg11 : memref<!tpu.dma_semaphore, #tpu.memory_space<semaphore_mem>>) src(%dma_wait3A_34 : memref<8000xi32, #tpu.memory_space<hbm>>) dst(%arg7 : memref<8000xi32, #tpu.memory_space<vmem>>)
    %dma_wait3A_35 = arith.constant 0 : i32
    %dma_wait3A_36 = tpu.memref_slice %arg9[%dma_wait3A_35] : memref<102400xf32, #tpu.memory_space<vmem_shared>> -> memref<102400xf32, #tpu.memory_space<vmem_shared>>
    tpu.wait_indirect_dma semaphore(%arg12 : memref<!tpu.dma_semaphore, #tpu.memory_space<semaphore_mem>>) src(%arg8 : memref<8000xf32, #tpu.memory_space<vmem>>) dst(%dma_wait3A_36 : memref<102400xf32, #tpu.memory_space<vmem_shared>>)
    %barrier3A_37 = arith.constant 0 : index
    tpu.barrier barrier_id(%barrier3A_37)
    %eq3A = arith.constant 0 : i32
    %eq3A_38 = arith.cmpi eq, %arg1, %eq3A : i32
    %convert_element_type3A = arith.extui %eq3A_38 : i1 to i32
    %cond3A = arith.constant 0 : i32
    %cond3A_39 = arith.cmpi ne, %convert_element_type3A, %cond3A : i32
    scf.if %cond3A_39 {
      "tpu.region"() ({
        %run_scoped3A = tpu.sem_alloc : memref<!tpu.dma_semaphore, #tpu.memory_space<semaphore_mem>>
        %dma_start3A_40 = arith.constant 0 : i32
        %dma_start3A_41 = tpu.memref_slice %arg5[%arg0, %dma_start3A_40] : memref<2x102400xf32, #tpu.memory_space<hbm>> -> memref<1x102400xf32, #tpu.memory_space<hbm>>
        %dma_start3A_42 = tpu.memref_squeeze %dma_start3A_41 : memref<1x102400xf32, #tpu.memory_space<hbm>> -> memref<102400xf32, #tpu.memory_space<hbm>>
        tpu.enqueue_dma source(%arg9 : memref<102400xf32, #tpu.memory_space<vmem_shared>>) target(%dma_start3A_42 : memref<102400xf32, #tpu.memory_space<hbm>>) target_semaphore(%run_scoped3A : memref<!tpu.dma_semaphore, #tpu.memory_space<semaphore_mem>>)
        %dma_wait3A_43 = arith.constant 0 : i32
        %dma_wait3A_44 = tpu.memref_slice %arg5[%arg0, %dma_wait3A_43] : memref<2x102400xf32, #tpu.memory_space<hbm>> -> memref<1x102400xf32, #tpu.memory_space<hbm>>
        %dma_wait3A_45 = tpu.memref_squeeze %dma_wait3A_44 : memref<1x102400xf32, #tpu.memory_space<hbm>> -> memref<102400xf32, #tpu.memory_space<hbm>>
        tpu.wait_dma2 semaphore(%run_scoped3A : memref<!tpu.dma_semaphore, #tpu.memory_space<semaphore_mem>>) src(%arg9 : memref<102400xf32, #tpu.memory_space<vmem_shared>>) dst(%dma_wait3A_45 : memref<102400xf32, #tpu.memory_space<hbm>>)
        tpu.yield
      }) : () -> ()
    } else {
    }
    return
  }
}

#map = affine_map<(d0, d1) -> (0)>
#map1 = affine_map<(d0, d1) -> (0, 0)>
module attributes {stable_mosaic.version = 14 : i64} {
  func.func @body(%arg0: i32, %arg1: i32, %arg2: memref<6400000xi32, #tpu.memory_space<hbm>>, %arg3: memref<6400000xi32, #tpu.memory_space<hbm>>, %arg4: memref<102400xf32, #tpu.memory_space<hbm>>, %arg5: memref<102400xf32, #tpu.memory_space<hbm>>, %arg6: memref<2x102400xf32, #tpu.memory_space<hbm>>, %arg7: memref<8000xi32, #tpu.memory_space<vmem>>, %arg8: memref<8000xi32, #tpu.memory_space<vmem>>, %arg9: memref<8000xi32, #tpu.memory_space<vmem>>, %arg10: memref<8000xi32, #tpu.memory_space<vmem>>, %arg11: memref<8000xf32, #tpu.memory_space<vmem>>, %arg12: memref<8000xf32, #tpu.memory_space<vmem>>, %arg13: memref<102400xf32, #tpu.memory_space<vmem_shared>>, %arg14: memref<102400xf32, #tpu.memory_space<vmem_shared>>, %arg15: memref<!tpu.dma_semaphore, #tpu.memory_space<semaphore_mem>>, %arg16: memref<!tpu.dma_semaphore, #tpu.memory_space<semaphore_mem>>, %arg17: memref<!tpu.dma_semaphore, #tpu.memory_space<semaphore_mem>>, %arg18: memref<!tpu.dma_semaphore, #tpu.memory_space<semaphore_mem>>, %arg19: memref<!tpu.dma_semaphore, #tpu.memory_space<semaphore_mem>>, %arg20: memref<!tpu.dma_semaphore, #tpu.memory_space<semaphore_mem>>) attributes {dimension_semantics = [#tpu.dimension_semantics<core_parallel>, #tpu.dimension_semantics<subcore_parallel>], iteration_bounds = array<i64: 2, 16>, scalar_prefetch = 0 : i64, scratch_operands = 14 : i64, tpu.core_type = #tpu.core_type<sc_vector_subcore>, window_params = [{transform_indices = #map}, {transform_indices = #map}, {transform_indices = #map}, {transform_indices = #map}, {transform_indices = #map1}]} {
    %mul3A = arith.constant 6400 : i32
    %mul3A_0 = arith.muli %arg1, %mul3A : i32
    %mul3A_1 = arith.constant 6400 : i32
    %mul3A_2 = arith.muli %arg1, %mul3A_1 : i32
    "tpu.region"() ({
      %run_scoped3A = tpu.sem_alloc : memref<!tpu.dma_semaphore, #tpu.memory_space<semaphore_mem>>
      %dma_start3A_71 = tpu.memref_slice %arg13[%mul3A_2] : memref<102400xf32, #tpu.memory_space<vmem_shared>> -> memref<6400xf32, #tpu.memory_space<vmem_shared>>
      %dma_start3A_72 = tpu.memref_slice %arg5[%mul3A_0] : memref<102400xf32, #tpu.memory_space<hbm>> -> memref<6400xf32, #tpu.memory_space<hbm>>
      tpu.enqueue_dma source(%dma_start3A_72 : memref<6400xf32, #tpu.memory_space<hbm>>) target(%dma_start3A_71 : memref<6400xf32, #tpu.memory_space<vmem_shared>>) target_semaphore(%run_scoped3A : memref<!tpu.dma_semaphore, #tpu.memory_space<semaphore_mem>>)
      %dma_wait3A_73 = tpu.memref_slice %arg13[%mul3A_2] : memref<102400xf32, #tpu.memory_space<vmem_shared>> -> memref<6400xf32, #tpu.memory_space<vmem_shared>>
      %dma_wait3A_74 = tpu.memref_slice %arg5[%mul3A_0] : memref<102400xf32, #tpu.memory_space<hbm>> -> memref<6400xf32, #tpu.memory_space<hbm>>
      tpu.wait_dma2 semaphore(%run_scoped3A : memref<!tpu.dma_semaphore, #tpu.memory_space<semaphore_mem>>) src(%dma_wait3A_74 : memref<6400xf32, #tpu.memory_space<hbm>>) dst(%dma_wait3A_73 : memref<6400xf32, #tpu.memory_space<vmem_shared>>)
      tpu.yield
    }) : () -> ()
    %mul3A_3 = arith.constant 6400 : i32
    %mul3A_4 = arith.muli %arg1, %mul3A_3 : i32
    %mul3A_5 = arith.constant 6400 : i32
    %mul3A_6 = arith.muli %arg1, %mul3A_5 : i32
    "tpu.region"() ({
      %run_scoped3A = tpu.sem_alloc : memref<!tpu.dma_semaphore, #tpu.memory_space<semaphore_mem>>
      %dma_start3A_71 = tpu.memref_slice %arg14[%mul3A_6] : memref<102400xf32, #tpu.memory_space<vmem_shared>> -> memref<6400xf32, #tpu.memory_space<vmem_shared>>
      %dma_start3A_72 = tpu.memref_slice %arg4[%mul3A_4] : memref<102400xf32, #tpu.memory_space<hbm>> -> memref<6400xf32, #tpu.memory_space<hbm>>
      tpu.enqueue_dma source(%dma_start3A_72 : memref<6400xf32, #tpu.memory_space<hbm>>) target(%dma_start3A_71 : memref<6400xf32, #tpu.memory_space<vmem_shared>>) target_semaphore(%run_scoped3A : memref<!tpu.dma_semaphore, #tpu.memory_space<semaphore_mem>>)
      %dma_wait3A_73 = tpu.memref_slice %arg14[%mul3A_6] : memref<102400xf32, #tpu.memory_space<vmem_shared>> -> memref<6400xf32, #tpu.memory_space<vmem_shared>>
      %dma_wait3A_74 = tpu.memref_slice %arg4[%mul3A_4] : memref<102400xf32, #tpu.memory_space<hbm>> -> memref<6400xf32, #tpu.memory_space<hbm>>
      tpu.wait_dma2 semaphore(%run_scoped3A : memref<!tpu.dma_semaphore, #tpu.memory_space<semaphore_mem>>) src(%dma_wait3A_74 : memref<6400xf32, #tpu.memory_space<hbm>>) dst(%dma_wait3A_73 : memref<6400xf32, #tpu.memory_space<vmem_shared>>)
      tpu.yield
    }) : () -> ()
    %barrier3A = arith.constant 0 : index
    tpu.barrier barrier_id(%barrier3A)
    %mul3A_7 = arith.constant 16 : i32
    %mul3A_8 = arith.muli %arg0, %mul3A_7 : i32
    %add3A = arith.addi %mul3A_8, %arg1 : i32
    %mul3A_9 = arith.constant 25 : i32
    %mul3A_10 = arith.muli %add3A, %mul3A_9 : i32
    %add3A_11 = arith.constant 0 : i32
    %add3A_12 = arith.addi %mul3A_10, %add3A_11 : i32
    %mul3A_13 = arith.constant 8000 : i32
    %mul3A_14 = arith.muli %add3A_12, %mul3A_13 : i32
    %dma_start3A = tpu.memref_slice %arg2[%mul3A_14] : memref<6400000xi32, #tpu.memory_space<hbm>> -> memref<8000xi32, #tpu.memory_space<hbm>>
    %dma_start3A_15 = tpu.memref_slice %arg2[%mul3A_14] : memref<6400000xi32, #tpu.memory_space<hbm>> -> memref<8000xi32, #tpu.memory_space<hbm>>
    tpu.enqueue_dma source(%dma_start3A_15 : memref<8000xi32, #tpu.memory_space<hbm>>) target(%arg7 : memref<8000xi32, #tpu.memory_space<vmem>>) target_semaphore(%arg15 : memref<!tpu.dma_semaphore, #tpu.memory_space<semaphore_mem>>)
    %mul3A_16 = arith.constant 25 : i32
    %mul3A_17 = arith.muli %add3A, %mul3A_16 : i32
    %add3A_18 = arith.constant 0 : i32
    %add3A_19 = arith.addi %mul3A_17, %add3A_18 : i32
    %mul3A_20 = arith.constant 8000 : i32
    %mul3A_21 = arith.muli %add3A_19, %mul3A_20 : i32
    %dma_start3A_22 = tpu.memref_slice %arg3[%mul3A_21] : memref<6400000xi32, #tpu.memory_space<hbm>> -> memref<8000xi32, #tpu.memory_space<hbm>>
    %dma_start3A_23 = tpu.memref_slice %arg3[%mul3A_21] : memref<6400000xi32, #tpu.memory_space<hbm>> -> memref<8000xi32, #tpu.memory_space<hbm>>
    tpu.enqueue_dma source(%dma_start3A_23 : memref<8000xi32, #tpu.memory_space<hbm>>) target(%arg9 : memref<8000xi32, #tpu.memory_space<vmem>>) target_semaphore(%arg15 : memref<!tpu.dma_semaphore, #tpu.memory_space<semaphore_mem>>)
    %dma_wait3A = arith.constant 0 : i32
    %dma_wait3A_24 = tpu.memref_slice %arg2[%dma_wait3A] : memref<6400000xi32, #tpu.memory_space<hbm>> -> memref<8000xi32, #tpu.memory_space<hbm>>
    %dma_wait3A_25 = arith.constant 0 : i32
    %dma_wait3A_26 = tpu.memref_slice %arg2[%dma_wait3A_25] : memref<6400000xi32, #tpu.memory_space<hbm>> -> memref<8000xi32, #tpu.memory_space<hbm>>
    tpu.wait_dma2 semaphore(%arg15 : memref<!tpu.dma_semaphore, #tpu.memory_space<semaphore_mem>>) src(%dma_wait3A_26 : memref<8000xi32, #tpu.memory_space<hbm>>) dst(%arg7 : memref<8000xi32, #tpu.memory_space<vmem>>)
    %dma_wait3A_27 = arith.constant 0 : i32
    %dma_wait3A_28 = tpu.memref_slice %arg3[%dma_wait3A_27] : memref<6400000xi32, #tpu.memory_space<hbm>> -> memref<8000xi32, #tpu.memory_space<hbm>>
    %dma_wait3A_29 = arith.constant 0 : i32
    %dma_wait3A_30 = tpu.memref_slice %arg3[%dma_wait3A_29] : memref<6400000xi32, #tpu.memory_space<hbm>> -> memref<8000xi32, #tpu.memory_space<hbm>>
    tpu.wait_dma2 semaphore(%arg15 : memref<!tpu.dma_semaphore, #tpu.memory_space<semaphore_mem>>) src(%dma_wait3A_30 : memref<8000xi32, #tpu.memory_space<hbm>>) dst(%arg9 : memref<8000xi32, #tpu.memory_space<vmem>>)
    %dma_start3A_31 = arith.constant 0 : i32
    %dma_start3A_32 = tpu.memref_slice %arg14[%dma_start3A_31] : memref<102400xf32, #tpu.memory_space<vmem_shared>> -> memref<102400xf32, #tpu.memory_space<vmem_shared>>
    tpu.enqueue_indirect_dma source(%dma_start3A_32 : memref<102400xf32, #tpu.memory_space<vmem_shared>>) target(%arg11 : memref<8000xf32, #tpu.memory_space<vmem>>) offsets(%arg7 : memref<8000xi32, #tpu.memory_space<vmem>>) semaphore(%arg17 : memref<!tpu.dma_semaphore, #tpu.memory_space<semaphore_mem>>)
    %min3A = arith.constant 1 : i32
    %min3A_33 = arith.constant 24 : i32
    %min3A_34 = arith.minsi %min3A, %min3A_33 : i32
    %mul3A_35 = arith.constant 25 : i32
    %mul3A_36 = arith.muli %add3A, %mul3A_35 : i32
    %add3A_37 = arith.addi %mul3A_36, %min3A_34 : i32
    %mul3A_38 = arith.constant 8000 : i32
    %mul3A_39 = arith.muli %add3A_37, %mul3A_38 : i32
    %dma_start3A_40 = tpu.memref_slice %arg2[%mul3A_39] : memref<6400000xi32, #tpu.memory_space<hbm>> -> memref<8000xi32, #tpu.memory_space<hbm>>
    %dma_start3A_41 = tpu.memref_slice %arg2[%mul3A_39] : memref<6400000xi32, #tpu.memory_space<hbm>> -> memref<8000xi32, #tpu.memory_space<hbm>>
    tpu.enqueue_dma source(%dma_start3A_41 : memref<8000xi32, #tpu.memory_space<hbm>>) target(%arg8 : memref<8000xi32, #tpu.memory_space<vmem>>) target_semaphore(%arg16 : memref<!tpu.dma_semaphore, #tpu.memory_space<semaphore_mem>>)
    %mul3A_42 = arith.constant 25 : i32
    %mul3A_43 = arith.muli %add3A, %mul3A_42 : i32
    %add3A_44 = arith.addi %mul3A_43, %min3A_34 : i32
    %mul3A_45 = arith.constant 8000 : i32
    %mul3A_46 = arith.muli %add3A_44, %mul3A_45 : i32
    %dma_start3A_47 = tpu.memref_slice %arg3[%mul3A_46] : memref<6400000xi32, #tpu.memory_space<hbm>> -> memref<8000xi32, #tpu.memory_space<hbm>>
    %dma_start3A_48 = tpu.memref_slice %arg3[%mul3A_46] : memref<6400000xi32, #tpu.memory_space<hbm>> -> memref<8000xi32, #tpu.memory_space<hbm>>
    tpu.enqueue_dma source(%dma_start3A_48 : memref<8000xi32, #tpu.memory_space<hbm>>) target(%arg10 : memref<8000xi32, #tpu.memory_space<vmem>>) target_semaphore(%arg16 : memref<!tpu.dma_semaphore, #tpu.memory_space<semaphore_mem>>)
    %dma_wait3A_49 = arith.constant 0 : i32
    %dma_wait3A_50 = tpu.memref_slice %arg14[%dma_wait3A_49] : memref<102400xf32, #tpu.memory_space<vmem_shared>> -> memref<102400xf32, #tpu.memory_space<vmem_shared>>
    tpu.wait_indirect_dma semaphore(%arg17 : memref<!tpu.dma_semaphore, #tpu.memory_space<semaphore_mem>>) src(%dma_wait3A_50 : memref<102400xf32, #tpu.memory_space<vmem_shared>>) dst(%arg11 : memref<8000xf32, #tpu.memory_space<vmem>>)
    %dma_start3A_51 = arith.constant 0 : i32
    %dma_start3A_52 = tpu.memref_slice %arg13[%dma_start3A_51] : memref<102400xf32, #tpu.memory_space<vmem_shared>> -> memref<102400xf32, #tpu.memory_space<vmem_shared>>
    tpu.enqueue_indirect_dma source(%arg11 : memref<8000xf32, #tpu.memory_space<vmem>>) target(%dma_start3A_52 : memref<102400xf32, #tpu.memory_space<vmem_shared>>) offsets(%arg9 : memref<8000xi32, #tpu.memory_space<vmem>>) semaphore(%arg19 : memref<!tpu.dma_semaphore, #tpu.memory_space<semaphore_mem>>) {add = true}
    %scan3A = arith.constant 0 : i32
    %scan3A_53 = arith.constant 0 : i32
    %scan3A_54 = arith.constant 12 : i32
    %scan3A_55 = arith.addi %scan3A_53, %scan3A_54 : i32
    %scan3A_56 = arith.constant 1 : i32
    scf.for %scan3A_71 = %scan3A_53 to %scan3A_55 step %scan3A_56  : i32 {
      %mul3A_72 = arith.constant 2 : i32
      %mul3A_73 = arith.muli %mul3A_72, %scan3A_71 : i32
      %add3A_74 = arith.constant 1 : i32
      %add3A_75 = arith.addi %mul3A_73, %add3A_74 : i32
      %dma_wait3A_76 = arith.constant 0 : i32
      %dma_wait3A_77 = tpu.memref_slice %arg2[%dma_wait3A_76] : memref<6400000xi32, #tpu.memory_space<hbm>> -> memref<8000xi32, #tpu.memory_space<hbm>>
      %dma_wait3A_78 = arith.constant 0 : i32
      %dma_wait3A_79 = tpu.memref_slice %arg2[%dma_wait3A_78] : memref<6400000xi32, #tpu.memory_space<hbm>> -> memref<8000xi32, #tpu.memory_space<hbm>>
      tpu.wait_dma2 semaphore(%arg16 : memref<!tpu.dma_semaphore, #tpu.memory_space<semaphore_mem>>) src(%dma_wait3A_79 : memref<8000xi32, #tpu.memory_space<hbm>>) dst(%arg8 : memref<8000xi32, #tpu.memory_space<vmem>>)
      %dma_wait3A_80 = arith.constant 0 : i32
      %dma_wait3A_81 = tpu.memref_slice %arg3[%dma_wait3A_80] : memref<6400000xi32, #tpu.memory_space<hbm>> -> memref<8000xi32, #tpu.memory_space<hbm>>
      %dma_wait3A_82 = arith.constant 0 : i32
      %dma_wait3A_83 = tpu.memref_slice %arg3[%dma_wait3A_82] : memref<6400000xi32, #tpu.memory_space<hbm>> -> memref<8000xi32, #tpu.memory_space<hbm>>
      tpu.wait_dma2 semaphore(%arg16 : memref<!tpu.dma_semaphore, #tpu.memory_space<semaphore_mem>>) src(%dma_wait3A_83 : memref<8000xi32, #tpu.memory_space<hbm>>) dst(%arg10 : memref<8000xi32, #tpu.memory_space<vmem>>)
      %dma_start3A_84 = arith.constant 0 : i32
      %dma_start3A_85 = tpu.memref_slice %arg14[%dma_start3A_84] : memref<102400xf32, #tpu.memory_space<vmem_shared>> -> memref<102400xf32, #tpu.memory_space<vmem_shared>>
      tpu.enqueue_indirect_dma source(%dma_start3A_85 : memref<102400xf32, #tpu.memory_space<vmem_shared>>) target(%arg12 : memref<8000xf32, #tpu.memory_space<vmem>>) offsets(%arg8 : memref<8000xi32, #tpu.memory_space<vmem>>) semaphore(%arg18 : memref<!tpu.dma_semaphore, #tpu.memory_space<semaphore_mem>>)
      %dma_wait3A_86 = arith.constant 0 : i32
      %dma_wait3A_87 = tpu.memref_slice %arg13[%dma_wait3A_86] : memref<102400xf32, #tpu.memory_space<vmem_shared>> -> memref<102400xf32, #tpu.memory_space<vmem_shared>>
      tpu.wait_indirect_dma semaphore(%arg19 : memref<!tpu.dma_semaphore, #tpu.memory_space<semaphore_mem>>) src(%arg11 : memref<8000xf32, #tpu.memory_space<vmem>>) dst(%dma_wait3A_87 : memref<102400xf32, #tpu.memory_space<vmem_shared>>)
      %add3A_88 = arith.constant 1 : i32
      %add3A_89 = arith.addi %add3A_75, %add3A_88 : i32
      %min3A_90 = arith.constant 24 : i32
      %min3A_91 = arith.minsi %add3A_89, %min3A_90 : i32
      %mul3A_92 = arith.constant 25 : i32
      %mul3A_93 = arith.muli %add3A, %mul3A_92 : i32
      %add3A_94 = arith.addi %mul3A_93, %min3A_91 : i32
      %mul3A_95 = arith.constant 8000 : i32
      %mul3A_96 = arith.muli %add3A_94, %mul3A_95 : i32
      %dma_start3A_97 = tpu.memref_slice %arg2[%mul3A_96] : memref<6400000xi32, #tpu.memory_space<hbm>> -> memref<8000xi32, #tpu.memory_space<hbm>>
      %dma_start3A_98 = tpu.memref_slice %arg2[%mul3A_96] : memref<6400000xi32, #tpu.memory_space<hbm>> -> memref<8000xi32, #tpu.memory_space<hbm>>
      tpu.enqueue_dma source(%dma_start3A_98 : memref<8000xi32, #tpu.memory_space<hbm>>) target(%arg7 : memref<8000xi32, #tpu.memory_space<vmem>>) target_semaphore(%arg15 : memref<!tpu.dma_semaphore, #tpu.memory_space<semaphore_mem>>)
      %mul3A_99 = arith.constant 25 : i32
      %mul3A_100 = arith.muli %add3A, %mul3A_99 : i32
      %add3A_101 = arith.addi %mul3A_100, %min3A_91 : i32
      %mul3A_102 = arith.constant 8000 : i32
      %mul3A_103 = arith.muli %add3A_101, %mul3A_102 : i32
      %dma_start3A_104 = tpu.memref_slice %arg3[%mul3A_103] : memref<6400000xi32, #tpu.memory_space<hbm>> -> memref<8000xi32, #tpu.memory_space<hbm>>
      %dma_start3A_105 = tpu.memref_slice %arg3[%mul3A_103] : memref<6400000xi32, #tpu.memory_space<hbm>> -> memref<8000xi32, #tpu.memory_space<hbm>>
      tpu.enqueue_dma source(%dma_start3A_105 : memref<8000xi32, #tpu.memory_space<hbm>>) target(%arg9 : memref<8000xi32, #tpu.memory_space<vmem>>) target_semaphore(%arg15 : memref<!tpu.dma_semaphore, #tpu.memory_space<semaphore_mem>>)
      %dma_wait3A_106 = arith.constant 0 : i32
      %dma_wait3A_107 = tpu.memref_slice %arg14[%dma_wait3A_106] : memref<102400xf32, #tpu.memory_space<vmem_shared>> -> memref<102400xf32, #tpu.memory_space<vmem_shared>>
      tpu.wait_indirect_dma semaphore(%arg18 : memref<!tpu.dma_semaphore, #tpu.memory_space<semaphore_mem>>) src(%dma_wait3A_107 : memref<102400xf32, #tpu.memory_space<vmem_shared>>) dst(%arg12 : memref<8000xf32, #tpu.memory_space<vmem>>)
      %dma_start3A_108 = arith.constant 0 : i32
      %dma_start3A_109 = tpu.memref_slice %arg13[%dma_start3A_108] : memref<102400xf32, #tpu.memory_space<vmem_shared>> -> memref<102400xf32, #tpu.memory_space<vmem_shared>>
      tpu.enqueue_indirect_dma source(%arg12 : memref<8000xf32, #tpu.memory_space<vmem>>) target(%dma_start3A_109 : memref<102400xf32, #tpu.memory_space<vmem_shared>>) offsets(%arg10 : memref<8000xi32, #tpu.memory_space<vmem>>) semaphore(%arg20 : memref<!tpu.dma_semaphore, #tpu.memory_space<semaphore_mem>>) {add = true}
      %add3A_110 = arith.constant 1 : i32
      %add3A_111 = arith.addi %add3A_75, %add3A_110 : i32
      %dma_wait3A_112 = arith.constant 0 : i32
      %dma_wait3A_113 = tpu.memref_slice %arg2[%dma_wait3A_112] : memref<6400000xi32, #tpu.memory_space<hbm>> -> memref<8000xi32, #tpu.memory_space<hbm>>
      %dma_wait3A_114 = arith.constant 0 : i32
      %dma_wait3A_115 = tpu.memref_slice %arg2[%dma_wait3A_114] : memref<6400000xi32, #tpu.memory_space<hbm>> -> memref<8000xi32, #tpu.memory_space<hbm>>
      tpu.wait_dma2 semaphore(%arg15 : memref<!tpu.dma_semaphore, #tpu.memory_space<semaphore_mem>>) src(%dma_wait3A_115 : memref<8000xi32, #tpu.memory_space<hbm>>) dst(%arg7 : memref<8000xi32, #tpu.memory_space<vmem>>)
      %dma_wait3A_116 = arith.constant 0 : i32
      %dma_wait3A_117 = tpu.memref_slice %arg3[%dma_wait3A_116] : memref<6400000xi32, #tpu.memory_space<hbm>> -> memref<8000xi32, #tpu.memory_space<hbm>>
      %dma_wait3A_118 = arith.constant 0 : i32
      %dma_wait3A_119 = tpu.memref_slice %arg3[%dma_wait3A_118] : memref<6400000xi32, #tpu.memory_space<hbm>> -> memref<8000xi32, #tpu.memory_space<hbm>>
      tpu.wait_dma2 semaphore(%arg15 : memref<!tpu.dma_semaphore, #tpu.memory_space<semaphore_mem>>) src(%dma_wait3A_119 : memref<8000xi32, #tpu.memory_space<hbm>>) dst(%arg9 : memref<8000xi32, #tpu.memory_space<vmem>>)
      %dma_start3A_120 = arith.constant 0 : i32
      %dma_start3A_121 = tpu.memref_slice %arg14[%dma_start3A_120] : memref<102400xf32, #tpu.memory_space<vmem_shared>> -> memref<102400xf32, #tpu.memory_space<vmem_shared>>
      tpu.enqueue_indirect_dma source(%dma_start3A_121 : memref<102400xf32, #tpu.memory_space<vmem_shared>>) target(%arg11 : memref<8000xf32, #tpu.memory_space<vmem>>) offsets(%arg7 : memref<8000xi32, #tpu.memory_space<vmem>>) semaphore(%arg17 : memref<!tpu.dma_semaphore, #tpu.memory_space<semaphore_mem>>)
      %dma_wait3A_122 = arith.constant 0 : i32
      %dma_wait3A_123 = tpu.memref_slice %arg13[%dma_wait3A_122] : memref<102400xf32, #tpu.memory_space<vmem_shared>> -> memref<102400xf32, #tpu.memory_space<vmem_shared>>
      tpu.wait_indirect_dma semaphore(%arg20 : memref<!tpu.dma_semaphore, #tpu.memory_space<semaphore_mem>>) src(%arg12 : memref<8000xf32, #tpu.memory_space<vmem>>) dst(%dma_wait3A_123 : memref<102400xf32, #tpu.memory_space<vmem_shared>>)
      %add3A_124 = arith.constant 1 : i32
      %add3A_125 = arith.addi %add3A_111, %add3A_124 : i32
      %min3A_126 = arith.constant 24 : i32
      %min3A_127 = arith.minsi %add3A_125, %min3A_126 : i32
      %mul3A_128 = arith.constant 25 : i32
      %mul3A_129 = arith.muli %add3A, %mul3A_128 : i32
      %add3A_130 = arith.addi %mul3A_129, %min3A_127 : i32
      %mul3A_131 = arith.constant 8000 : i32
      %mul3A_132 = arith.muli %add3A_130, %mul3A_131 : i32
      %dma_start3A_133 = tpu.memref_slice %arg2[%mul3A_132] : memref<6400000xi32, #tpu.memory_space<hbm>> -> memref<8000xi32, #tpu.memory_space<hbm>>
      %dma_start3A_134 = tpu.memref_slice %arg2[%mul3A_132] : memref<6400000xi32, #tpu.memory_space<hbm>> -> memref<8000xi32, #tpu.memory_space<hbm>>
      tpu.enqueue_dma source(%dma_start3A_134 : memref<8000xi32, #tpu.memory_space<hbm>>) target(%arg8 : memref<8000xi32, #tpu.memory_space<vmem>>) target_semaphore(%arg16 : memref<!tpu.dma_semaphore, #tpu.memory_space<semaphore_mem>>)
      %mul3A_135 = arith.constant 25 : i32
      %mul3A_136 = arith.muli %add3A, %mul3A_135 : i32
      %add3A_137 = arith.addi %mul3A_136, %min3A_127 : i32
      %mul3A_138 = arith.constant 8000 : i32
      %mul3A_139 = arith.muli %add3A_137, %mul3A_138 : i32
      %dma_start3A_140 = tpu.memref_slice %arg3[%mul3A_139] : memref<6400000xi32, #tpu.memory_space<hbm>> -> memref<8000xi32, #tpu.memory_space<hbm>>
      %dma_start3A_141 = tpu.memref_slice %arg3[%mul3A_139] : memref<6400000xi32, #tpu.memory_space<hbm>> -> memref<8000xi32, #tpu.memory_space<hbm>>
      tpu.enqueue_dma source(%dma_start3A_141 : memref<8000xi32, #tpu.memory_space<hbm>>) target(%arg10 : memref<8000xi32, #tpu.memory_space<vmem>>) target_semaphore(%arg16 : memref<!tpu.dma_semaphore, #tpu.memory_space<semaphore_mem>>)
      %dma_wait3A_142 = arith.constant 0 : i32
      %dma_wait3A_143 = tpu.memref_slice %arg14[%dma_wait3A_142] : memref<102400xf32, #tpu.memory_space<vmem_shared>> -> memref<102400xf32, #tpu.memory_space<vmem_shared>>
      tpu.wait_indirect_dma semaphore(%arg17 : memref<!tpu.dma_semaphore, #tpu.memory_space<semaphore_mem>>) src(%dma_wait3A_143 : memref<102400xf32, #tpu.memory_space<vmem_shared>>) dst(%arg11 : memref<8000xf32, #tpu.memory_space<vmem>>)
      %dma_start3A_144 = arith.constant 0 : i32
      %dma_start3A_145 = tpu.memref_slice %arg13[%dma_start3A_144] : memref<102400xf32, #tpu.memory_space<vmem_shared>> -> memref<102400xf32, #tpu.memory_space<vmem_shared>>
      tpu.enqueue_indirect_dma source(%arg11 : memref<8000xf32, #tpu.memory_space<vmem>>) target(%dma_start3A_145 : memref<102400xf32, #tpu.memory_space<vmem_shared>>) offsets(%arg9 : memref<8000xi32, #tpu.memory_space<vmem>>) semaphore(%arg19 : memref<!tpu.dma_semaphore, #tpu.memory_space<semaphore_mem>>) {add = true}
    }
    %scan3A_57 = arith.constant 12 : i32
    %dma_wait3A_58 = arith.constant 0 : i32
    %dma_wait3A_59 = tpu.memref_slice %arg2[%dma_wait3A_58] : memref<6400000xi32, #tpu.memory_space<hbm>> -> memref<8000xi32, #tpu.memory_space<hbm>>
    %dma_wait3A_60 = arith.constant 0 : i32
    %dma_wait3A_61 = tpu.memref_slice %arg2[%dma_wait3A_60] : memref<6400000xi32, #tpu.memory_space<hbm>> -> memref<8000xi32, #tpu.memory_space<hbm>>
    tpu.wait_dma2 semaphore(%arg16 : memref<!tpu.dma_semaphore, #tpu.memory_space<semaphore_mem>>) src(%dma_wait3A_61 : memref<8000xi32, #tpu.memory_space<hbm>>) dst(%arg8 : memref<8000xi32, #tpu.memory_space<vmem>>)
    %dma_wait3A_62 = arith.constant 0 : i32
    %dma_wait3A_63 = tpu.memref_slice %arg3[%dma_wait3A_62] : memref<6400000xi32, #tpu.memory_space<hbm>> -> memref<8000xi32, #tpu.memory_space<hbm>>
    %dma_wait3A_64 = arith.constant 0 : i32
    %dma_wait3A_65 = tpu.memref_slice %arg3[%dma_wait3A_64] : memref<6400000xi32, #tpu.memory_space<hbm>> -> memref<8000xi32, #tpu.memory_space<hbm>>
    tpu.wait_dma2 semaphore(%arg16 : memref<!tpu.dma_semaphore, #tpu.memory_space<semaphore_mem>>) src(%dma_wait3A_65 : memref<8000xi32, #tpu.memory_space<hbm>>) dst(%arg10 : memref<8000xi32, #tpu.memory_space<vmem>>)
    %dma_wait3A_66 = arith.constant 0 : i32
    %dma_wait3A_67 = tpu.memref_slice %arg13[%dma_wait3A_66] : memref<102400xf32, #tpu.memory_space<vmem_shared>> -> memref<102400xf32, #tpu.memory_space<vmem_shared>>
    tpu.wait_indirect_dma semaphore(%arg19 : memref<!tpu.dma_semaphore, #tpu.memory_space<semaphore_mem>>) src(%arg11 : memref<8000xf32, #tpu.memory_space<vmem>>) dst(%dma_wait3A_67 : memref<102400xf32, #tpu.memory_space<vmem_shared>>)
    %barrier3A_68 = arith.constant 0 : index
    tpu.barrier barrier_id(%barrier3A_68)
    %eq3A = arith.constant 0 : i32
    %eq3A_69 = arith.cmpi eq, %arg1, %eq3A : i32
    %convert_element_type3A = arith.extui %eq3A_69 : i1 to i32
    %cond3A = arith.constant 0 : i32
    %cond3A_70 = arith.cmpi ne, %convert_element_type3A, %cond3A : i32
    scf.if %cond3A_70 {
      "tpu.region"() ({
        %run_scoped3A = tpu.sem_alloc : memref<!tpu.dma_semaphore, #tpu.memory_space<semaphore_mem>>
        %dma_start3A_71 = arith.constant 0 : i32
        %dma_start3A_72 = tpu.memref_slice %arg6[%arg0, %dma_start3A_71] : memref<2x102400xf32, #tpu.memory_space<hbm>> -> memref<1x102400xf32, #tpu.memory_space<hbm>>
        %dma_start3A_73 = tpu.memref_squeeze %dma_start3A_72 : memref<1x102400xf32, #tpu.memory_space<hbm>> -> memref<102400xf32, #tpu.memory_space<hbm>>
        tpu.enqueue_dma source(%arg13 : memref<102400xf32, #tpu.memory_space<vmem_shared>>) target(%dma_start3A_73 : memref<102400xf32, #tpu.memory_space<hbm>>) target_semaphore(%run_scoped3A : memref<!tpu.dma_semaphore, #tpu.memory_space<semaphore_mem>>)
        %dma_wait3A_74 = arith.constant 0 : i32
        %dma_wait3A_75 = tpu.memref_slice %arg6[%arg0, %dma_wait3A_74] : memref<2x102400xf32, #tpu.memory_space<hbm>> -> memref<1x102400xf32, #tpu.memory_space<hbm>>
        %dma_wait3A_76 = tpu.memref_squeeze %dma_wait3A_75 : memref<1x102400xf32, #tpu.memory_space<hbm>> -> memref<102400xf32, #tpu.memory_space<hbm>>
        tpu.wait_dma2 semaphore(%run_scoped3A : memref<!tpu.dma_semaphore, #tpu.memory_space<semaphore_mem>>) src(%arg13 : memref<102400xf32, #tpu.memory_space<vmem_shared>>) dst(%dma_wait3A_76 : memref<102400xf32, #tpu.memory_space<hbm>>)
        tpu.yield
      }) : () -> ()
    } else {
    }
    return
  }
}

module attributes {stable_mosaic.version = 14 : i64} {
  func.func @body(%arg0: memref<2x800x128xf32, #tpu.memory_space<vmem>>, %arg1: memref<800x128xf32, #tpu.memory_space<vmem>>, %arg2: memref<800x128xf32, #tpu.memory_space<vmem>>, %arg3: memref<800x128xf32, #tpu.memory_space<vmem>>, %arg4: memref<800x128xf32, #tpu.memory_space<vmem>>, %arg5: memref<800x128xf32, #tpu.memory_space<vmem>>) attributes {dimension_semantics = [], scalar_prefetch = 0 : i64, scratch_operands = 0 : i64, tpu.core_type = #tpu.core_type<tc>} {
    %get3A = arith.constant 0 : index
    %get3A_0 = arith.constant 0 : index
    %get3A_1 = arith.constant 0 : index
    %get3A_2 = vector.load %arg0[%get3A, %get3A_0, %get3A_1] : memref<2x800x128xf32, #tpu.memory_space<vmem>>, vector<1x800x128xf32>
    %get3A_3 = vector.shape_cast %get3A_2 : vector<1x800x128xf32> to vector<800x128xf32>
    %get3A_4 = arith.constant 1 : index
    %get3A_5 = arith.constant 0 : index
    %get3A_6 = arith.constant 0 : index
    %get3A_7 = vector.load %arg0[%get3A_4, %get3A_5, %get3A_6] : memref<2x800x128xf32, #tpu.memory_space<vmem>>, vector<1x800x128xf32>
    %get3A_8 = vector.shape_cast %get3A_7 : vector<1x800x128xf32> to vector<800x128xf32>
    %add3A = arith.addf %get3A_3, %get3A_8 : vector<800x128xf32>
    %add3A_9 = arith.constant 1.000000e+00 : f32
    %add3A_10 = vector.broadcast %add3A_9 : f32 to vector<800x128xf32>
    %add3A_11 = arith.addf %add3A, %add3A_10 : vector<800x128xf32>
    %rsqrt3A = math.rsqrt %add3A_11 : vector<800x128xf32>
    %swap3A = arith.constant 0 : index
    %swap3A_12 = arith.constant 0 : index
    %swap3A_13 = vector.load %arg3[%swap3A, %swap3A_12] : memref<800x128xf32, #tpu.memory_space<vmem>>, vector<800x128xf32>
    tpu.vector_store %arg3[%swap3A, %swap3A_12], %rsqrt3A {strides = array<i32>} : memref<800x128xf32, #tpu.memory_space<vmem>>, vector<800x128xf32>,
    %get3A_14 = arith.constant 0 : index
    %get3A_15 = arith.constant 0 : index
    %get3A_16 = vector.load %arg1[%get3A_14, %get3A_15] : memref<800x128xf32, #tpu.memory_space<vmem>>, vector<800x128xf32>
    %mul3A = arith.mulf %rsqrt3A, %get3A_16 : vector<800x128xf32>
    %swap3A_17 = arith.constant 0 : index
    %swap3A_18 = arith.constant 0 : index
    %swap3A_19 = vector.load %arg4[%swap3A_17, %swap3A_18] : memref<800x128xf32, #tpu.memory_space<vmem>>, vector<800x128xf32>
    tpu.vector_store %arg4[%swap3A_17, %swap3A_18], %mul3A {strides = array<i32>} : memref<800x128xf32, #tpu.memory_space<vmem>>, vector<800x128xf32>,
    %get3A_20 = arith.constant 0 : index
    %get3A_21 = arith.constant 0 : index
    %get3A_22 = vector.load %arg2[%get3A_20, %get3A_21] : memref<800x128xf32, #tpu.memory_space<vmem>>, vector<800x128xf32>
    %mul3A_23 = arith.mulf %rsqrt3A, %get3A_22 : vector<800x128xf32>
    %swap3A_24 = arith.constant 0 : index
    %swap3A_25 = arith.constant 0 : index
    %swap3A_26 = vector.load %arg5[%swap3A_24, %swap3A_25] : memref<800x128xf32, #tpu.memory_space<vmem>>, vector<800x128xf32>
    tpu.vector_store %arg5[%swap3A_24, %swap3A_25], %mul3A_23 {strides = array<i32>} : memref<800x128xf32, #tpu.memory_space<vmem>>, vector<800x128xf32>,
    return
  }
}

module attributes {stable_mosaic.version = 14 : i64} {
  func.func @body(%arg0: memref<800x128xf32, #tpu.memory_space<vmem>>, %arg1: memref<800x128xf32, #tpu.memory_space<vmem>>, %arg2: memref<800x128xf32, #tpu.memory_space<vmem>>, %arg3: memref<2x800x128xf32, #tpu.memory_space<vmem>>, %arg4: memref<2x800x128xf32, #tpu.memory_space<vmem>>, %arg5: memref<2x16xf32, #tpu.memory_space<smem>>, %arg6: memref<16xf32, #tpu.memory_space<smem>>, %arg7: memref<16x1xf32, #tpu.memory_space<smem>>, %arg8: memref<800x128xf32, #tpu.memory_space<vmem>>) attributes {dimension_semantics = [], scalar_prefetch = 0 : i64, scratch_operands = 0 : i64, tpu.core_type = #tpu.core_type<tc>} {
    %get3A = arith.constant 0 : index
    %get3A_0 = arith.constant 0 : index
    %get3A_1 = vector.load %arg0[%get3A, %get3A_0] : memref<800x128xf32, #tpu.memory_space<vmem>>, vector<800x128xf32>
    %get3A_2 = arith.constant 0 : index
    %get3A_3 = arith.constant 0 : index
    %get3A_4 = arith.constant 0 : index
    %get3A_5 = vector.load %arg3[%get3A_2, %get3A_3, %get3A_4] : memref<2x800x128xf32, #tpu.memory_space<vmem>>, vector<1x800x128xf32>
    %get3A_6 = vector.shape_cast %get3A_5 : vector<1x800x128xf32> to vector<800x128xf32>
    %get3A_7 = arith.constant 1 : index
    %get3A_8 = arith.constant 0 : index
    %get3A_9 = arith.constant 0 : index
    %get3A_10 = vector.load %arg3[%get3A_7, %get3A_8, %get3A_9] : memref<2x800x128xf32, #tpu.memory_space<vmem>>, vector<1x800x128xf32>
    %get3A_11 = vector.shape_cast %get3A_10 : vector<1x800x128xf32> to vector<800x128xf32>
    %add3A = arith.addf %get3A_6, %get3A_11 : vector<800x128xf32>
    %get3A_12 = arith.constant 0 : index
    %get3A_13 = arith.constant 0 : index
    %get3A_14 = vector.load %arg1[%get3A_12, %get3A_13] : memref<800x128xf32, #tpu.memory_space<vmem>>, vector<800x128xf32>
    %add3A_15 = arith.addf %add3A, %get3A_14 : vector<800x128xf32>
    %mul3A = arith.mulf %get3A_1, %add3A_15 : vector<800x128xf32>
    %get3A_16 = arith.constant 0 : index
    %get3A_17 = arith.constant 0 : index
    %get3A_18 = arith.constant 0 : index
    %get3A_19 = vector.load %arg4[%get3A_16, %get3A_17, %get3A_18] : memref<2x800x128xf32, #tpu.memory_space<vmem>>, vector<1x800x128xf32>
    %get3A_20 = vector.shape_cast %get3A_19 : vector<1x800x128xf32> to vector<800x128xf32>
    %get3A_21 = arith.constant 1 : index
    %get3A_22 = arith.constant 0 : index
    %get3A_23 = arith.constant 0 : index
    %get3A_24 = vector.load %arg4[%get3A_21, %get3A_22, %get3A_23] : memref<2x800x128xf32, #tpu.memory_space<vmem>>, vector<1x800x128xf32>
    %get3A_25 = vector.shape_cast %get3A_24 : vector<1x800x128xf32> to vector<800x128xf32>
    %add3A_26 = arith.addf %get3A_20, %get3A_25 : vector<800x128xf32>
    %get3A_27 = arith.constant 0 : index
    %get3A_28 = arith.constant 0 : index
    %get3A_29 = vector.load %arg2[%get3A_27, %get3A_28] : memref<800x128xf32, #tpu.memory_space<vmem>>, vector<800x128xf32>
    %add3A_30 = arith.addf %add3A_26, %get3A_29 : vector<800x128xf32>
    %mul3A_31 = arith.mulf %get3A_1, %add3A_30 : vector<800x128xf32>
    %broadcast_in_dim3A = arith.constant 0.000000e+00 : f32
    %broadcast_in_dim3A_32 = vector.broadcast %broadcast_in_dim3A : f32 to vector<800x128xf32>
    %get3A_33 = arith.constant 0 : index
    %get3A_34 = arith.constant 0 : index
    %get3A_35 = memref.load %arg5[%get3A_33, %get3A_34] : memref<2x16xf32, #tpu.memory_space<smem>>
    %mul3A_36 = vector.broadcast %get3A_35 : f32 to vector<800x128xf32>
    %mul3A_37 = arith.mulf %mul3A, %mul3A_36 : vector<800x128xf32>
    %get3A_38 = arith.constant 1 : index
    %get3A_39 = arith.constant 0 : index
    %get3A_40 = memref.load %arg5[%get3A_38, %get3A_39] : memref<2x16xf32, #tpu.memory_space<smem>>
    %mul3A_41 = vector.broadcast %get3A_40 : f32 to vector<800x128xf32>
    %mul3A_42 = arith.mulf %mul3A_31, %mul3A_41 : vector<800x128xf32>
    %add3A_43 = arith.addf %mul3A_37, %mul3A_42 : vector<800x128xf32>
    %get3A_44 = arith.constant 0 : index
    %get3A_45 = memref.load %arg6[%get3A_44] : memref<16xf32, #tpu.memory_space<smem>>
    %add3A_46 = vector.broadcast %get3A_45 : f32 to vector<800x128xf32>
    %add3A_47 = arith.addf %add3A_43, %add3A_46 : vector<800x128xf32>
    %max3A = arith.constant 0.000000e+00 : f32
    %max3A_48 = vector.broadcast %max3A : f32 to vector<800x128xf32>
    %max3A_49 = arith.maximumf %add3A_47, %max3A_48 : vector<800x128xf32>
    %get3A_50 = arith.constant 0 : index
    %get3A_51 = arith.constant 0 : index
    %get3A_52 = memref.load %arg7[%get3A_50, %get3A_51] : memref<16x1xf32, #tpu.memory_space<smem>>
    %mul3A_53 = vector.broadcast %get3A_52 : f32 to vector<800x128xf32>
    %mul3A_54 = arith.mulf %max3A_49, %mul3A_53 : vector<800x128xf32>
    %add3A_55 = arith.addf %broadcast_in_dim3A_32, %mul3A_54 : vector<800x128xf32>
    %get3A_56 = arith.constant 0 : index
    %get3A_57 = arith.constant 1 : index
    %get3A_58 = memref.load %arg5[%get3A_56, %get3A_57] : memref<2x16xf32, #tpu.memory_space<smem>>
    %mul3A_59 = vector.broadcast %get3A_58 : f32 to vector<800x128xf32>
    %mul3A_60 = arith.mulf %mul3A, %mul3A_59 : vector<800x128xf32>
    %get3A_61 = arith.constant 1 : index
    %get3A_62 = arith.constant 1 : index
    %get3A_63 = memref.load %arg5[%get3A_61, %get3A_62] : memref<2x16xf32, #tpu.memory_space<smem>>
    %mul3A_64 = vector.broadcast %get3A_63 : f32 to vector<800x128xf32>
    %mul3A_65 = arith.mulf %mul3A_31, %mul3A_64 : vector<800x128xf32>
    %add3A_66 = arith.addf %mul3A_60, %mul3A_65 : vector<800x128xf32>
    %get3A_67 = arith.constant 1 : index
    %get3A_68 = memref.load %arg6[%get3A_67] : memref<16xf32, #tpu.memory_space<smem>>
    %add3A_69 = vector.broadcast %get3A_68 : f32 to vector<800x128xf32>
    %add3A_70 = arith.addf %add3A_66, %add3A_69 : vector<800x128xf32>
    %max3A_71 = arith.constant 0.000000e+00 : f32
    %max3A_72 = vector.broadcast %max3A_71 : f32 to vector<800x128xf32>
    %max3A_73 = arith.maximumf %add3A_70, %max3A_72 : vector<800x128xf32>
    %get3A_74 = arith.constant 1 : index
    %get3A_75 = arith.constant 0 : index
    %get3A_76 = memref.load %arg7[%get3A_74, %get3A_75] : memref<16x1xf32, #tpu.memory_space<smem>>
    %mul3A_77 = vector.broadcast %get3A_76 : f32 to vector<800x128xf32>
    %mul3A_78 = arith.mulf %max3A_73, %mul3A_77 : vector<800x128xf32>
    %add3A_79 = arith.addf %add3A_55, %mul3A_78 : vector<800x128xf32>
    %get3A_80 = arith.constant 0 : index
    %get3A_81 = arith.constant 2 : index
    %get3A_82 = memref.load %arg5[%get3A_80, %get3A_81] : memref<2x16xf32, #tpu.memory_space<smem>>
    %mul3A_83 = vector.broadcast %get3A_82 : f32 to vector<800x128xf32>
    %mul3A_84 = arith.mulf %mul3A, %mul3A_83 : vector<800x128xf32>
    %get3A_85 = arith.constant 1 : index
    %get3A_86 = arith.constant 2 : index
    %get3A_87 = memref.load %arg5[%get3A_85, %get3A_86] : memref<2x16xf32, #tpu.memory_space<smem>>
    %mul3A_88 = vector.broadcast %get3A_87 : f32 to vector<800x128xf32>
    %mul3A_89 = arith.mulf %mul3A_31, %mul3A_88 : vector<800x128xf32>
    %add3A_90 = arith.addf %mul3A_84, %mul3A_89 : vector<800x128xf32>
    %get3A_91 = arith.constant 2 : index
    %get3A_92 = memref.load %arg6[%get3A_91] : memref<16xf32, #tpu.memory_space<smem>>
    %add3A_93 = vector.broadcast %get3A_92 : f32 to vector<800x128xf32>
    %add3A_94 = arith.addf %add3A_90, %add3A_93 : vector<800x128xf32>
    %max3A_95 = arith.constant 0.000000e+00 : f32
    %max3A_96 = vector.broadcast %max3A_95 : f32 to vector<800x128xf32>
    %max3A_97 = arith.maximumf %add3A_94, %max3A_96 : vector<800x128xf32>
    %get3A_98 = arith.constant 2 : index
    %get3A_99 = arith.constant 0 : index
    %get3A_100 = memref.load %arg7[%get3A_98, %get3A_99] : memref<16x1xf32, #tpu.memory_space<smem>>
    %mul3A_101 = vector.broadcast %get3A_100 : f32 to vector<800x128xf32>
    %mul3A_102 = arith.mulf %max3A_97, %mul3A_101 : vector<800x128xf32>
    %add3A_103 = arith.addf %add3A_79, %mul3A_102 : vector<800x128xf32>
    %get3A_104 = arith.constant 0 : index
    %get3A_105 = arith.constant 3 : index
    %get3A_106 = memref.load %arg5[%get3A_104, %get3A_105] : memref<2x16xf32, #tpu.memory_space<smem>>
    %mul3A_107 = vector.broadcast %get3A_106 : f32 to vector<800x128xf32>
    %mul3A_108 = arith.mulf %mul3A, %mul3A_107 : vector<800x128xf32>
    %get3A_109 = arith.constant 1 : index
    %get3A_110 = arith.constant 3 : index
    %get3A_111 = memref.load %arg5[%get3A_109, %get3A_110] : memref<2x16xf32, #tpu.memory_space<smem>>
    %mul3A_112 = vector.broadcast %get3A_111 : f32 to vector<800x128xf32>
    %mul3A_113 = arith.mulf %mul3A_31, %mul3A_112 : vector<800x128xf32>
    %add3A_114 = arith.addf %mul3A_108, %mul3A_113 : vector<800x128xf32>
    %get3A_115 = arith.constant 3 : index
    %get3A_116 = memref.load %arg6[%get3A_115] : memref<16xf32, #tpu.memory_space<smem>>
    %add3A_117 = vector.broadcast %get3A_116 : f32 to vector<800x128xf32>
    %add3A_118 = arith.addf %add3A_114, %add3A_117 : vector<800x128xf32>
    %max3A_119 = arith.constant 0.000000e+00 : f32
    %max3A_120 = vector.broadcast %max3A_119 : f32 to vector<800x128xf32>
    %max3A_121 = arith.maximumf %add3A_118, %max3A_120 : vector<800x128xf32>
    %get3A_122 = arith.constant 3 : index
    %get3A_123 = arith.constant 0 : index
    %get3A_124 = memref.load %arg7[%get3A_122, %get3A_123] : memref<16x1xf32, #tpu.memory_space<smem>>
    %mul3A_125 = vector.broadcast %get3A_124 : f32 to vector<800x128xf32>
    %mul3A_126 = arith.mulf %max3A_121, %mul3A_125 : vector<800x128xf32>
    %add3A_127 = arith.addf %add3A_103, %mul3A_126 : vector<800x128xf32>
    %get3A_128 = arith.constant 0 : index
    %get3A_129 = arith.constant 4 : index
    %get3A_130 = memref.load %arg5[%get3A_128, %get3A_129] : memref<2x16xf32, #tpu.memory_space<smem>>
    %mul3A_131 = vector.broadcast %get3A_130 : f32 to vector<800x128xf32>
    %mul3A_132 = arith.mulf %mul3A, %mul3A_131 : vector<800x128xf32>
    %get3A_133 = arith.constant 1 : index
    %get3A_134 = arith.constant 4 : index
    %get3A_135 = memref.load %arg5[%get3A_133, %get3A_134] : memref<2x16xf32, #tpu.memory_space<smem>>
    %mul3A_136 = vector.broadcast %get3A_135 : f32 to vector<800x128xf32>
    %mul3A_137 = arith.mulf %mul3A_31, %mul3A_136 : vector<800x128xf32>
    %add3A_138 = arith.addf %mul3A_132, %mul3A_137 : vector<800x128xf32>
    %get3A_139 = arith.constant 4 : index
    %get3A_140 = memref.load %arg6[%get3A_139] : memref<16xf32, #tpu.memory_space<smem>>
    %add3A_141 = vector.broadcast %get3A_140 : f32 to vector<800x128xf32>
    %add3A_142 = arith.addf %add3A_138, %add3A_141 : vector<800x128xf32>
    %max3A_143 = arith.constant 0.000000e+00 : f32
    %max3A_144 = vector.broadcast %max3A_143 : f32 to vector<800x128xf32>
    %max3A_145 = arith.maximumf %add3A_142, %max3A_144 : vector<800x128xf32>
    %get3A_146 = arith.constant 4 : index
    %get3A_147 = arith.constant 0 : index
    %get3A_148 = memref.load %arg7[%get3A_146, %get3A_147] : memref<16x1xf32, #tpu.memory_space<smem>>
    %mul3A_149 = vector.broadcast %get3A_148 : f32 to vector<800x128xf32>
    %mul3A_150 = arith.mulf %max3A_145, %mul3A_149 : vector<800x128xf32>
    %add3A_151 = arith.addf %add3A_127, %mul3A_150 : vector<800x128xf32>
    %get3A_152 = arith.constant 0 : index
    %get3A_153 = arith.constant 5 : index
    %get3A_154 = memref.load %arg5[%get3A_152, %get3A_153] : memref<2x16xf32, #tpu.memory_space<smem>>
    %mul3A_155 = vector.broadcast %get3A_154 : f32 to vector<800x128xf32>
    %mul3A_156 = arith.mulf %mul3A, %mul3A_155 : vector<800x128xf32>
    %get3A_157 = arith.constant 1 : index
    %get3A_158 = arith.constant 5 : index
    %get3A_159 = memref.load %arg5[%get3A_157, %get3A_158] : memref<2x16xf32, #tpu.memory_space<smem>>
    %mul3A_160 = vector.broadcast %get3A_159 : f32 to vector<800x128xf32>
    %mul3A_161 = arith.mulf %mul3A_31, %mul3A_160 : vector<800x128xf32>
    %add3A_162 = arith.addf %mul3A_156, %mul3A_161 : vector<800x128xf32>
    %get3A_163 = arith.constant 5 : index
    %get3A_164 = memref.load %arg6[%get3A_163] : memref<16xf32, #tpu.memory_space<smem>>
    %add3A_165 = vector.broadcast %get3A_164 : f32 to vector<800x128xf32>
    %add3A_166 = arith.addf %add3A_162, %add3A_165 : vector<800x128xf32>
    %max3A_167 = arith.constant 0.000000e+00 : f32
    %max3A_168 = vector.broadcast %max3A_167 : f32 to vector<800x128xf32>
    %max3A_169 = arith.maximumf %add3A_166, %max3A_168 : vector<800x128xf32>
    %get3A_170 = arith.constant 5 : index
    %get3A_171 = arith.constant 0 : index
    %get3A_172 = memref.load %arg7[%get3A_170, %get3A_171] : memref<16x1xf32, #tpu.memory_space<smem>>
    %mul3A_173 = vector.broadcast %get3A_172 : f32 to vector<800x128xf32>
    %mul3A_174 = arith.mulf %max3A_169, %mul3A_173 : vector<800x128xf32>
    %add3A_175 = arith.addf %add3A_151, %mul3A_174 : vector<800x128xf32>
    %get3A_176 = arith.constant 0 : index
    %get3A_177 = arith.constant 6 : index
    %get3A_178 = memref.load %arg5[%get3A_176, %get3A_177] : memref<2x16xf32, #tpu.memory_space<smem>>
    %mul3A_179 = vector.broadcast %get3A_178 : f32 to vector<800x128xf32>
    %mul3A_180 = arith.mulf %mul3A, %mul3A_179 : vector<800x128xf32>
    %get3A_181 = arith.constant 1 : index
    %get3A_182 = arith.constant 6 : index
    %get3A_183 = memref.load %arg5[%get3A_181, %get3A_182] : memref<2x16xf32, #tpu.memory_space<smem>>
    %mul3A_184 = vector.broadcast %get3A_183 : f32 to vector<800x128xf32>
    %mul3A_185 = arith.mulf %mul3A_31, %mul3A_184 : vector<800x128xf32>
    %add3A_186 = arith.addf %mul3A_180, %mul3A_185 : vector<800x128xf32>
    %get3A_187 = arith.constant 6 : index
    %get3A_188 = memref.load %arg6[%get3A_187] : memref<16xf32, #tpu.memory_space<smem>>
    %add3A_189 = vector.broadcast %get3A_188 : f32 to vector<800x128xf32>
    %add3A_190 = arith.addf %add3A_186, %add3A_189 : vector<800x128xf32>
    %max3A_191 = arith.constant 0.000000e+00 : f32
    %max3A_192 = vector.broadcast %max3A_191 : f32 to vector<800x128xf32>
    %max3A_193 = arith.maximumf %add3A_190, %max3A_192 : vector<800x128xf32>
    %get3A_194 = arith.constant 6 : index
    %get3A_195 = arith.constant 0 : index
    %get3A_196 = memref.load %arg7[%get3A_194, %get3A_195] : memref<16x1xf32, #tpu.memory_space<smem>>
    %mul3A_197 = vector.broadcast %get3A_196 : f32 to vector<800x128xf32>
    %mul3A_198 = arith.mulf %max3A_193, %mul3A_197 : vector<800x128xf32>
    %add3A_199 = arith.addf %add3A_175, %mul3A_198 : vector<800x128xf32>
    %get3A_200 = arith.constant 0 : index
    %get3A_201 = arith.constant 7 : index
    %get3A_202 = memref.load %arg5[%get3A_200, %get3A_201] : memref<2x16xf32, #tpu.memory_space<smem>>
    %mul3A_203 = vector.broadcast %get3A_202 : f32 to vector<800x128xf32>
    %mul3A_204 = arith.mulf %mul3A, %mul3A_203 : vector<800x128xf32>
    %get3A_205 = arith.constant 1 : index
    %get3A_206 = arith.constant 7 : index
    %get3A_207 = memref.load %arg5[%get3A_205, %get3A_206] : memref<2x16xf32, #tpu.memory_space<smem>>
    %mul3A_208 = vector.broadcast %get3A_207 : f32 to vector<800x128xf32>
    %mul3A_209 = arith.mulf %mul3A_31, %mul3A_208 : vector<800x128xf32>
    %add3A_210 = arith.addf %mul3A_204, %mul3A_209 : vector<800x128xf32>
    %get3A_211 = arith.constant 7 : index
    %get3A_212 = memref.load %arg6[%get3A_211] : memref<16xf32, #tpu.memory_space<smem>>
    %add3A_213 = vector.broadcast %get3A_212 : f32 to vector<800x128xf32>
    %add3A_214 = arith.addf %add3A_210, %add3A_213 : vector<800x128xf32>
    %max3A_215 = arith.constant 0.000000e+00 : f32
    %max3A_216 = vector.broadcast %max3A_215 : f32 to vector<800x128xf32>
    %max3A_217 = arith.maximumf %add3A_214, %max3A_216 : vector<800x128xf32>
    %get3A_218 = arith.constant 7 : index
    %get3A_219 = arith.constant 0 : index
    %get3A_220 = memref.load %arg7[%get3A_218, %get3A_219] : memref<16x1xf32, #tpu.memory_space<smem>>
    %mul3A_221 = vector.broadcast %get3A_220 : f32 to vector<800x128xf32>
    %mul3A_222 = arith.mulf %max3A_217, %mul3A_221 : vector<800x128xf32>
    %add3A_223 = arith.addf %add3A_199, %mul3A_222 : vector<800x128xf32>
    %get3A_224 = arith.constant 0 : index
    %get3A_225 = arith.constant 8 : index
    %get3A_226 = memref.load %arg5[%get3A_224, %get3A_225] : memref<2x16xf32, #tpu.memory_space<smem>>
    %mul3A_227 = vector.broadcast %get3A_226 : f32 to vector<800x128xf32>
    %mul3A_228 = arith.mulf %mul3A, %mul3A_227 : vector<800x128xf32>
    %get3A_229 = arith.constant 1 : index
    %get3A_230 = arith.constant 8 : index
    %get3A_231 = memref.load %arg5[%get3A_229, %get3A_230] : memref<2x16xf32, #tpu.memory_space<smem>>
    %mul3A_232 = vector.broadcast %get3A_231 : f32 to vector<800x128xf32>
    %mul3A_233 = arith.mulf %mul3A_31, %mul3A_232 : vector<800x128xf32>
    %add3A_234 = arith.addf %mul3A_228, %mul3A_233 : vector<800x128xf32>
    %get3A_235 = arith.constant 8 : index
    %get3A_236 = memref.load %arg6[%get3A_235] : memref<16xf32, #tpu.memory_space<smem>>
    %add3A_237 = vector.broadcast %get3A_236 : f32 to vector<800x128xf32>
    %add3A_238 = arith.addf %add3A_234, %add3A_237 : vector<800x128xf32>
    %max3A_239 = arith.constant 0.000000e+00 : f32
    %max3A_240 = vector.broadcast %max3A_239 : f32 to vector<800x128xf32>
    %max3A_241 = arith.maximumf %add3A_238, %max3A_240 : vector<800x128xf32>
    %get3A_242 = arith.constant 8 : index
    %get3A_243 = arith.constant 0 : index
    %get3A_244 = memref.load %arg7[%get3A_242, %get3A_243] : memref<16x1xf32, #tpu.memory_space<smem>>
    %mul3A_245 = vector.broadcast %get3A_244 : f32 to vector<800x128xf32>
    %mul3A_246 = arith.mulf %max3A_241, %mul3A_245 : vector<800x128xf32>
    %add3A_247 = arith.addf %add3A_223, %mul3A_246 : vector<800x128xf32>
    %get3A_248 = arith.constant 0 : index
    %get3A_249 = arith.constant 9 : index
    %get3A_250 = memref.load %arg5[%get3A_248, %get3A_249] : memref<2x16xf32, #tpu.memory_space<smem>>
    %mul3A_251 = vector.broadcast %get3A_250 : f32 to vector<800x128xf32>
    %mul3A_252 = arith.mulf %mul3A, %mul3A_251 : vector<800x128xf32>
    %get3A_253 = arith.constant 1 : index
    %get3A_254 = arith.constant 9 : index
    %get3A_255 = memref.load %arg5[%get3A_253, %get3A_254] : memref<2x16xf32, #tpu.memory_space<smem>>
    %mul3A_256 = vector.broadcast %get3A_255 : f32 to vector<800x128xf32>
    %mul3A_257 = arith.mulf %mul3A_31, %mul3A_256 : vector<800x128xf32>
    %add3A_258 = arith.addf %mul3A_252, %mul3A_257 : vector<800x128xf32>
    %get3A_259 = arith.constant 9 : index
    %get3A_260 = memref.load %arg6[%get3A_259] : memref<16xf32, #tpu.memory_space<smem>>
    %add3A_261 = vector.broadcast %get3A_260 : f32 to vector<800x128xf32>
    %add3A_262 = arith.addf %add3A_258, %add3A_261 : vector<800x128xf32>
    %max3A_263 = arith.constant 0.000000e+00 : f32
    %max3A_264 = vector.broadcast %max3A_263 : f32 to vector<800x128xf32>
    %max3A_265 = arith.maximumf %add3A_262, %max3A_264 : vector<800x128xf32>
    %get3A_266 = arith.constant 9 : index
    %get3A_267 = arith.constant 0 : index
    %get3A_268 = memref.load %arg7[%get3A_266, %get3A_267] : memref<16x1xf32, #tpu.memory_space<smem>>
    %mul3A_269 = vector.broadcast %get3A_268 : f32 to vector<800x128xf32>
    %mul3A_270 = arith.mulf %max3A_265, %mul3A_269 : vector<800x128xf32>
    %add3A_271 = arith.addf %add3A_247, %mul3A_270 : vector<800x128xf32>
    %get3A_272 = arith.constant 0 : index
    %get3A_273 = arith.constant 10 : index
    %get3A_274 = memref.load %arg5[%get3A_272, %get3A_273] : memref<2x16xf32, #tpu.memory_space<smem>>
    %mul3A_275 = vector.broadcast %get3A_274 : f32 to vector<800x128xf32>
    %mul3A_276 = arith.mulf %mul3A, %mul3A_275 : vector<800x128xf32>
    %get3A_277 = arith.constant 1 : index
    %get3A_278 = arith.constant 10 : index
    %get3A_279 = memref.load %arg5[%get3A_277, %get3A_278] : memref<2x16xf32, #tpu.memory_space<smem>>
    %mul3A_280 = vector.broadcast %get3A_279 : f32 to vector<800x128xf32>
    %mul3A_281 = arith.mulf %mul3A_31, %mul3A_280 : vector<800x128xf32>
    %add3A_282 = arith.addf %mul3A_276, %mul3A_281 : vector<800x128xf32>
    %get3A_283 = arith.constant 10 : index
    %get3A_284 = memref.load %arg6[%get3A_283] : memref<16xf32, #tpu.memory_space<smem>>
    %add3A_285 = vector.broadcast %get3A_284 : f32 to vector<800x128xf32>
    %add3A_286 = arith.addf %add3A_282, %add3A_285 : vector<800x128xf32>
    %max3A_287 = arith.constant 0.000000e+00 : f32
    %max3A_288 = vector.broadcast %max3A_287 : f32 to vector<800x128xf32>
    %max3A_289 = arith.maximumf %add3A_286, %max3A_288 : vector<800x128xf32>
    %get3A_290 = arith.constant 10 : index
    %get3A_291 = arith.constant 0 : index
    %get3A_292 = memref.load %arg7[%get3A_290, %get3A_291] : memref<16x1xf32, #tpu.memory_space<smem>>
    %mul3A_293 = vector.broadcast %get3A_292 : f32 to vector<800x128xf32>
    %mul3A_294 = arith.mulf %max3A_289, %mul3A_293 : vector<800x128xf32>
    %add3A_295 = arith.addf %add3A_271, %mul3A_294 : vector<800x128xf32>
    %get3A_296 = arith.constant 0 : index
    %get3A_297 = arith.constant 11 : index
    %get3A_298 = memref.load %arg5[%get3A_296, %get3A_297] : memref<2x16xf32, #tpu.memory_space<smem>>
    %mul3A_299 = vector.broadcast %get3A_298 : f32 to vector<800x128xf32>
    %mul3A_300 = arith.mulf %mul3A, %mul3A_299 : vector<800x128xf32>
    %get3A_301 = arith.constant 1 : index
    %get3A_302 = arith.constant 11 : index
    %get3A_303 = memref.load %arg5[%get3A_301, %get3A_302] : memref<2x16xf32, #tpu.memory_space<smem>>
    %mul3A_304 = vector.broadcast %get3A_303 : f32 to vector<800x128xf32>
    %mul3A_305 = arith.mulf %mul3A_31, %mul3A_304 : vector<800x128xf32>
    %add3A_306 = arith.addf %mul3A_300, %mul3A_305 : vector<800x128xf32>
    %get3A_307 = arith.constant 11 : index
    %get3A_308 = memref.load %arg6[%get3A_307] : memref<16xf32, #tpu.memory_space<smem>>
    %add3A_309 = vector.broadcast %get3A_308 : f32 to vector<800x128xf32>
    %add3A_310 = arith.addf %add3A_306, %add3A_309 : vector<800x128xf32>
    %max3A_311 = arith.constant 0.000000e+00 : f32
    %max3A_312 = vector.broadcast %max3A_311 : f32 to vector<800x128xf32>
    %max3A_313 = arith.maximumf %add3A_310, %max3A_312 : vector<800x128xf32>
    %get3A_314 = arith.constant 11 : index
    %get3A_315 = arith.constant 0 : index
    %get3A_316 = memref.load %arg7[%get3A_314, %get3A_315] : memref<16x1xf32, #tpu.memory_space<smem>>
    %mul3A_317 = vector.broadcast %get3A_316 : f32 to vector<800x128xf32>
    %mul3A_318 = arith.mulf %max3A_313, %mul3A_317 : vector<800x128xf32>
    %add3A_319 = arith.addf %add3A_295, %mul3A_318 : vector<800x128xf32>
    %get3A_320 = arith.constant 0 : index
    %get3A_321 = arith.constant 12 : index
    %get3A_322 = memref.load %arg5[%get3A_320, %get3A_321] : memref<2x16xf32, #tpu.memory_space<smem>>
    %mul3A_323 = vector.broadcast %get3A_322 : f32 to vector<800x128xf32>
    %mul3A_324 = arith.mulf %mul3A, %mul3A_323 : vector<800x128xf32>
    %get3A_325 = arith.constant 1 : index
    %get3A_326 = arith.constant 12 : index
    %get3A_327 = memref.load %arg5[%get3A_325, %get3A_326] : memref<2x16xf32, #tpu.memory_space<smem>>
    %mul3A_328 = vector.broadcast %get3A_327 : f32 to vector<800x128xf32>
    %mul3A_329 = arith.mulf %mul3A_31, %mul3A_328 : vector<800x128xf32>
    %add3A_330 = arith.addf %mul3A_324, %mul3A_329 : vector<800x128xf32>
    %get3A_331 = arith.constant 12 : index
    %get3A_332 = memref.load %arg6[%get3A_331] : memref<16xf32, #tpu.memory_space<smem>>
    %add3A_333 = vector.broadcast %get3A_332 : f32 to vector<800x128xf32>
    %add3A_334 = arith.addf %add3A_330, %add3A_333 : vector<800x128xf32>
    %max3A_335 = arith.constant 0.000000e+00 : f32
    %max3A_336 = vector.broadcast %max3A_335 : f32 to vector<800x128xf32>
    %max3A_337 = arith.maximumf %add3A_334, %max3A_336 : vector<800x128xf32>
    %get3A_338 = arith.constant 12 : index
    %get3A_339 = arith.constant 0 : index
    %get3A_340 = memref.load %arg7[%get3A_338, %get3A_339] : memref<16x1xf32, #tpu.memory_space<smem>>
    %mul3A_341 = vector.broadcast %get3A_340 : f32 to vector<800x128xf32>
    %mul3A_342 = arith.mulf %max3A_337, %mul3A_341 : vector<800x128xf32>
    %add3A_343 = arith.addf %add3A_319, %mul3A_342 : vector<800x128xf32>
    %get3A_344 = arith.constant 0 : index
    %get3A_345 = arith.constant 13 : index
    %get3A_346 = memref.load %arg5[%get3A_344, %get3A_345] : memref<2x16xf32, #tpu.memory_space<smem>>
    %mul3A_347 = vector.broadcast %get3A_346 : f32 to vector<800x128xf32>
    %mul3A_348 = arith.mulf %mul3A, %mul3A_347 : vector<800x128xf32>
    %get3A_349 = arith.constant 1 : index
    %get3A_350 = arith.constant 13 : index
    %get3A_351 = memref.load %arg5[%get3A_349, %get3A_350] : memref<2x16xf32, #tpu.memory_space<smem>>
    %mul3A_352 = vector.broadcast %get3A_351 : f32 to vector<800x128xf32>
    %mul3A_353 = arith.mulf %mul3A_31, %mul3A_352 : vector<800x128xf32>
    %add3A_354 = arith.addf %mul3A_348, %mul3A_353 : vector<800x128xf32>
    %get3A_355 = arith.constant 13 : index
    %get3A_356 = memref.load %arg6[%get3A_355] : memref<16xf32, #tpu.memory_space<smem>>
    %add3A_357 = vector.broadcast %get3A_356 : f32 to vector<800x128xf32>
    %add3A_358 = arith.addf %add3A_354, %add3A_357 : vector<800x128xf32>
    %max3A_359 = arith.constant 0.000000e+00 : f32
    %max3A_360 = vector.broadcast %max3A_359 : f32 to vector<800x128xf32>
    %max3A_361 = arith.maximumf %add3A_358, %max3A_360 : vector<800x128xf32>
    %get3A_362 = arith.constant 13 : index
    %get3A_363 = arith.constant 0 : index
    %get3A_364 = memref.load %arg7[%get3A_362, %get3A_363] : memref<16x1xf32, #tpu.memory_space<smem>>
    %mul3A_365 = vector.broadcast %get3A_364 : f32 to vector<800x128xf32>
    %mul3A_366 = arith.mulf %max3A_361, %mul3A_365 : vector<800x128xf32>
    %add3A_367 = arith.addf %add3A_343, %mul3A_366 : vector<800x128xf32>
    %get3A_368 = arith.constant 0 : index
    %get3A_369 = arith.constant 14 : index
    %get3A_370 = memref.load %arg5[%get3A_368, %get3A_369] : memref<2x16xf32, #tpu.memory_space<smem>>
    %mul3A_371 = vector.broadcast %get3A_370 : f32 to vector<800x128xf32>
    %mul3A_372 = arith.mulf %mul3A, %mul3A_371 : vector<800x128xf32>
    %get3A_373 = arith.constant 1 : index
    %get3A_374 = arith.constant 14 : index
    %get3A_375 = memref.load %arg5[%get3A_373, %get3A_374] : memref<2x16xf32, #tpu.memory_space<smem>>
    %mul3A_376 = vector.broadcast %get3A_375 : f32 to vector<800x128xf32>
    %mul3A_377 = arith.mulf %mul3A_31, %mul3A_376 : vector<800x128xf32>
    %add3A_378 = arith.addf %mul3A_372, %mul3A_377 : vector<800x128xf32>
    %get3A_379 = arith.constant 14 : index
    %get3A_380 = memref.load %arg6[%get3A_379] : memref<16xf32, #tpu.memory_space<smem>>
    %add3A_381 = vector.broadcast %get3A_380 : f32 to vector<800x128xf32>
    %add3A_382 = arith.addf %add3A_378, %add3A_381 : vector<800x128xf32>
    %max3A_383 = arith.constant 0.000000e+00 : f32
    %max3A_384 = vector.broadcast %max3A_383 : f32 to vector<800x128xf32>
    %max3A_385 = arith.maximumf %add3A_382, %max3A_384 : vector<800x128xf32>
    %get3A_386 = arith.constant 14 : index
    %get3A_387 = arith.constant 0 : index
    %get3A_388 = memref.load %arg7[%get3A_386, %get3A_387] : memref<16x1xf32, #tpu.memory_space<smem>>
    %mul3A_389 = vector.broadcast %get3A_388 : f32 to vector<800x128xf32>
    %mul3A_390 = arith.mulf %max3A_385, %mul3A_389 : vector<800x128xf32>
    %add3A_391 = arith.addf %add3A_367, %mul3A_390 : vector<800x128xf32>
    %get3A_392 = arith.constant 0 : index
    %get3A_393 = arith.constant 15 : index
    %get3A_394 = memref.load %arg5[%get3A_392, %get3A_393] : memref<2x16xf32, #tpu.memory_space<smem>>
    %mul3A_395 = vector.broadcast %get3A_394 : f32 to vector<800x128xf32>
    %mul3A_396 = arith.mulf %mul3A, %mul3A_395 : vector<800x128xf32>
    %get3A_397 = arith.constant 1 : index
    %get3A_398 = arith.constant 15 : index
    %get3A_399 = memref.load %arg5[%get3A_397, %get3A_398] : memref<2x16xf32, #tpu.memory_space<smem>>
    %mul3A_400 = vector.broadcast %get3A_399 : f32 to vector<800x128xf32>
    %mul3A_401 = arith.mulf %mul3A_31, %mul3A_400 : vector<800x128xf32>
    %add3A_402 = arith.addf %mul3A_396, %mul3A_401 : vector<800x128xf32>
    %get3A_403 = arith.constant 15 : index
    %get3A_404 = memref.load %arg6[%get3A_403] : memref<16xf32, #tpu.memory_space<smem>>
    %add3A_405 = vector.broadcast %get3A_404 : f32 to vector<800x128xf32>
    %add3A_406 = arith.addf %add3A_402, %add3A_405 : vector<800x128xf32>
    %max3A_407 = arith.constant 0.000000e+00 : f32
    %max3A_408 = vector.broadcast %max3A_407 : f32 to vector<800x128xf32>
    %max3A_409 = arith.maximumf %add3A_406, %max3A_408 : vector<800x128xf32>
    %get3A_410 = arith.constant 15 : index
    %get3A_411 = arith.constant 0 : index
    %get3A_412 = memref.load %arg7[%get3A_410, %get3A_411] : memref<16x1xf32, #tpu.memory_space<smem>>
    %mul3A_413 = vector.broadcast %get3A_412 : f32 to vector<800x128xf32>
    %mul3A_414 = arith.mulf %max3A_409, %mul3A_413 : vector<800x128xf32>
    %add3A_415 = arith.addf %add3A_391, %mul3A_414 : vector<800x128xf32>
    %mul3A_416 = arith.mulf %get3A_1, %add3A_415 : vector<800x128xf32>
    %swap3A = arith.constant 0 : index
    %swap3A_417 = arith.constant 0 : index
    %swap3A_418 = vector.load %arg8[%swap3A, %swap3A_417] : memref<800x128xf32, #tpu.memory_space<vmem>>, vector<800x128xf32>
    tpu.vector_store %arg8[%swap3A, %swap3A_417], %mul3A_416 {strides = array<i32>} : memref<800x128xf32, #tpu.memory_space<vmem>>, vector<800x128xf32>,
    return
  }
}

module attributes {stable_mosaic.version = 14 : i64} {
  func.func @body(%arg0: memref<800x128xf32, #tpu.memory_space<vmem>>, %arg1: memref<800x128xf32, #tpu.memory_space<vmem>>, %arg2: memref<2x800x128xf32, #tpu.memory_space<vmem>>, %arg3: memref<1xf32, #tpu.memory_space<smem>>, %arg4: memref<800x128xf32, #tpu.memory_space<vmem>>) attributes {dimension_semantics = [], scalar_prefetch = 0 : i64, scratch_operands = 0 : i64, tpu.core_type = #tpu.core_type<tc>} {
    %get3A = arith.constant 0 : index
    %get3A_0 = arith.constant 0 : index
    %get3A_1 = vector.load %arg0[%get3A, %get3A_0] : memref<800x128xf32, #tpu.memory_space<vmem>>, vector<800x128xf32>
    %get3A_2 = arith.constant 0 : index
    %get3A_3 = arith.constant 0 : index
    %get3A_4 = arith.constant 0 : index
    %get3A_5 = vector.load %arg2[%get3A_2, %get3A_3, %get3A_4] : memref<2x800x128xf32, #tpu.memory_space<vmem>>, vector<1x800x128xf32>
    %get3A_6 = vector.shape_cast %get3A_5 : vector<1x800x128xf32> to vector<800x128xf32>
    %get3A_7 = arith.constant 1 : index
    %get3A_8 = arith.constant 0 : index
    %get3A_9 = arith.constant 0 : index
    %get3A_10 = vector.load %arg2[%get3A_7, %get3A_8, %get3A_9] : memref<2x800x128xf32, #tpu.memory_space<vmem>>, vector<1x800x128xf32>
    %get3A_11 = vector.shape_cast %get3A_10 : vector<1x800x128xf32> to vector<800x128xf32>
    %add3A = arith.addf %get3A_6, %get3A_11 : vector<800x128xf32>
    %get3A_12 = arith.constant 0 : index
    %get3A_13 = arith.constant 0 : index
    %get3A_14 = vector.load %arg1[%get3A_12, %get3A_13] : memref<800x128xf32, #tpu.memory_space<vmem>>, vector<800x128xf32>
    %add3A_15 = arith.addf %add3A, %get3A_14 : vector<800x128xf32>
    %mul3A = arith.mulf %get3A_1, %add3A_15 : vector<800x128xf32>
    %get3A_16 = arith.constant 0 : index
    %get3A_17 = memref.load %arg3[%get3A_16] : memref<1xf32, #tpu.memory_space<smem>>
    %add3A_18 = vector.broadcast %get3A_17 : f32 to vector<800x128xf32>
    %add3A_19 = arith.addf %mul3A, %add3A_18 : vector<800x128xf32>
    %swap3A = arith.constant 0 : index
    %swap3A_20 = arith.constant 0 : index
    %swap3A_21 = vector.load %arg4[%swap3A, %swap3A_20] : memref<800x128xf32, #tpu.memory_space<vmem>>, vector<800x128xf32>
    tpu.vector_store %arg4[%swap3A, %swap3A_20], %add3A_19 {strides = array<i32>} : memref<800x128xf32, #tpu.memory_space<vmem>>, vector<800x128xf32>,
    return
  }
}

</mosaic_0001>

<sc_bundles>
// kernel: kernel.11.cloned.1.call-start
scs
__scs_entry_jumppad:
0x0: {  	(pc) =	sbr.rel $0x88, $3  }
0x1: {  	(tag) =	ssettag $0x0;
	lr =	simm.s32 $0x1  }
0x2: {  	[smem:$0x3F9B] =	sst lr;
	_ =	strace $0xD0000000  }
0x3: {  	_ = 	snop  }
0x4: {  	_ = 	snop  }
0x5: {  	_ = 	snop  }
0x6: {  	_ = 	snop  }
0x7: {  	_ = 	snop  }
__scs_overlays_trampoline_lowered:
0x8: {  	[smem:$0x3FAA] =	sst s0  }
0x9: {  	[smem:$0x3FAB] =	sst s1  }
0xa: {  	[smem:$0x3FAC] =	sst s2  }
0xb: {  	[smem:$0x3FAD] =	sst s3  }
0xc: {  	[smem:$0x3FAE] =	sst s4  }
0xd: {  	[smem:$0x3FAF] =	sst s5  }
0xe: {  	[smem:$0x3FB0] =	sst s6  }
0xf: {  	[smem:$0x3FB1] =	sst s7  }
0x10: {  	[smem:$0x3FB2] =	sst s8  }
0x11: {  	[smem:$0x3FB3] =	sst s9;
	s0 =	simm.s32 @!p0 $0x0  }
0x12: {  	s1 =	sld [smem:$0x3F99];
	s0 =	simm.s32 @p0 $0x1  }
0x13: {  	[smem:$0x3FB4] =	sst s0;
	s0 =	simm.s32 @!p1 $0x0  }
0x14: {  	s2 =	sld [smem:$0x3F98];
	s0 =	simm.s32 @p1 $0x1  }
0x15: {  	[smem:$0x3FB5] =	sst s0;
	s0 =	simm.s32 @!p2 $0x0  }
0x16: {  	s3 =	sld [smem:$0x3FDB];
	s0 =	simm.s32 @p2 $0x1  }
0x17: {  	s4 =	simm.s32 $0x1BF5;
	[smem:$0x3FB7] =	sst s0  }
0x18: {  	s0 =	sld [smem:$0x3F9A];
	_ =	swait.ge [sflag:s4], $0x0  }
0x19: {  	s7 =	sld [smem:$0x3F9B]  }
0x1a: {  	s8 =	sadd.s32 $0xFFFFE003, lr  }
0x1b: {  	s9 =	sadd.s32 $0xFFFFFEF7, lr;
	s5 =	simm.s32 $0xFFFFFFFF;
	p2 =	slt.u32 s8, $0xFFFFF086  }
0x1c: {  	p1 =	slt.u32 s9, $0xF7A;
	s5 =	simm.s32 @!p2 $0x0  }
0x1d: {  	s5 =	simm.s32 @p1 $0x1;
	p0 =	seq.s32 s7, s2  }
0x1e: {  	s7 =	smul.u32 @!p0 $0xF7A, s2;
	p2 =	seq.s32 @!p0 s5, $0x0  }
0x1f: {  	s9 =	smul.u32 $0xF7A, s1;
	s8 =	simm.s32 @!p0 $0x1BF5;
	p2 =	por !p2, p0  }
0x20: {  	[sflag:s8] =	ssyncset.s32 @!p0 $0xFFFFF086;
	s6 =	sadd.s32 @!p0 s3, s7;
	s7 =	simm.s32 @!p0 $0x108  }
0x21: {  	s3 =	sadd.s32 s3, s9;
	s6 =	sadd.s32 @!p0 $0x88, s6;
	s7 =	simm.s32 @p2 $0x1082  }
0x22: {  	[simem:s7], [sflag:s8] =	dma.local @!p0 [hbm:s6], $0xF7A  }
0x23: {  	s9 =	sor.u32 $0xD0000000, s2;
	s6 =	simm.s32 $0x108;
	_ =	swait.ge @!p0 [sflag:s8], $0x0  }
0x24: {  	s3 =	sadd.s32 $0x88, s3;
	s6 =	simm.s32 @!p1 $0x1082;
	[sflag:s4] =	ssyncset.s32 $0xFFFFF086  }
0x25: {  	[simem:s6], [sflag:s4] =	dma.local [hbm:s3], $0xF7A  }
0x26: {  	[smem:$0x3F9B] =	sst s1;
	(tag) =	ssettag s2;
	_ =	strace s9  }
0x27: {  	s1 =	sld [smem:$0x3FAB]  }
0x28: {  	s2 =	sld [smem:$0x3FAC]  }
0x29: {  	s4 =	sld [smem:$0x3FAE]  }
0x2a: {  	p0 =	seq.s32 s5, $0x0;
	s5 =	sld [smem:$0x3FAF]  }
0x2b: {  	s6 =	sld [smem:$0x3FB0]  }
0x2c: {  	s7 =	sld [smem:$0x3FB1]  }
0x2d: {  	s3 =	simm.s32 $0x108;
	s8 =	sld [smem:$0x3FB2]  }
0x2e: {  	s3 =	simm.s32 @!p0 $0x1082;
	s9 =	sld [smem:$0x3FB3]  }
0x2f: {  	lr =	sadd.s32 s0, s3;
	s0 =	sld [smem:$0x3FAA]  }
0x30: {  	s3 =	sld [smem:$0x3FAD]  }
0x31: {  	[smem:$0x3FB6] =	sst s10  }
0x32: {  	s10 =	sld [smem:$0x3FB4];
	_ =	sdelay $0x3  }
0x33: {  	p0 =	seq.s32 s10, $0x1;
	s10 =	sld [smem:$0x3FB6];
	_ =	sdelay $0x3  }
0x34: {  	[smem:$0x3FB6] =	sst s10  }
0x35: {  	s10 =	sld [smem:$0x3FB5];
	_ =	sdelay $0x3  }
0x36: {  	p1 =	seq.s32 s10, $0x1;
	s10 =	sld [smem:$0x3FB6];
	_ =	sdelay $0x3  }
0x37: {  	[smem:$0x3FB6] =	sst s10  }
0x38: {  	s10 =	sld [smem:$0x3FB7]  }
0x39: {  	_ = 	snop;
	(pc) =	sbr.ind lr, $3  }
0x3a: {  	_ = 	snop  }
0x3b: {  	_ = 	snop  }
0x3c: {  	p2 =	seq.s32 s10, $0x1;
	s10 =	sld [smem:$0x3FB6]  }
0x3d: {  	_ =	shalt  }
0x3e: {  	_ =	shalt  }
0x3f: {  	_ =	shalt  }
0x40: {  	_ =	shalt  }
0x41: {  	_ =	shalt  }
0x42: {  	_ =	shalt  }
0x43: {  	_ =	shalt  }
0x44: {  	_ =	shalt  }
0x45: {  	_ =	shalt  }
0x46: {  	_ =	shalt  }
0x47: {  	_ =	shalt  }
0x48: {  	_ =	shalt  }
0x49: {  	_ =	shalt  }
0x4a: {  	_ =	shalt  }
0x4b: {  	_ =	shalt  }
0x4c: {  	_ =	shalt  }
0x4d: {  	_ =	shalt  }
0x4e: {  	_ =	shalt  }
0x4f: {  	_ =	shalt  }
0x50: {  	_ =	shalt  }
0x51: {  	_ =	shalt  }
0x52: {  	_ =	shalt  }
0x53: {  	_ =	shalt  }
0x54: {  	_ =	shalt  }
0x55: {  	_ =	shalt  }
0x56: {  	_ =	shalt  }
0x57: {  	_ =	shalt  }
0x58: {  	_ =	shalt  }
0x59: {  	_ =	shalt  }
0x5a: {  	_ =	shalt  }
0x5b: {  	_ =	shalt  }
0x5c: {  	_ =	shalt  }
0x5d: {  	_ =	shalt  }
0x5e: {  	_ =	shalt  }
0x5f: {  	_ =	shalt  }
0x60: {  	_ =	shalt  }
0x61: {  	_ =	shalt  }
0x62: {  	_ =	shalt  }
0x63: {  	_ =	shalt  }
0x64: {  	_ =	shalt  }
0x65: {  	_ =	shalt  }
0x66: {  	_ =	shalt  }
0x67: {  	_ =	shalt  }
0x68: {  	_ =	shalt  }
0x69: {  	_ =	shalt  }
0x6a: {  	_ =	shalt  }
0x6b: {  	_ =	shalt  }
0x6c: {  	_ =	shalt  }
0x6d: {  	_ =	shalt  }
0x6e: {  	_ =	shalt  }
0x6f: {  	_ =	shalt  }
0x70: {  	_ =	shalt  }
0x71: {  	_ =	shalt  }
0x72: {  	_ =	shalt  }
0x73: {  	_ =	shalt  }
0x74: {  	_ =	shalt  }
0x75: {  	_ =	shalt  }
0x76: {  	_ =	shalt  }
0x77: {  	_ =	shalt  }
0x78: {  	_ =	shalt  }
0x79: {  	_ =	shalt  }
0x7a: {  	_ =	shalt  }
0x7b: {  	_ =	shalt  }
0x7c: {  	_ =	shalt  }
0x7d: {  	_ =	shalt  }
0x7e: {  	_ =	shalt  }
0x7f: {  	_ =	shalt  }
0x80: {  	_ =	shalt  }
0x81: {  	_ =	shalt  }
0x82: {  	_ =	shalt  }
0x83: {  	_ =	shalt  }
0x84: {  	_ =	shalt  }
0x85: {  	_ =	shalt  }
0x86: {  	_ =	shalt  }
0x87: {  	_ =	shalt  }
.Lfunc_end0:
.L_simem_size_0:
called_computation.1_lowered:
.L_overlay_start_0:
0x88: {  	s2 =	sld [smem:$0x3FD9]  }
0x89: {  	s3 =	sld [smem:$0x3FFE];
	_ =	sdelay $0x1  }
0x8a: {  	s1 =	srdreg.scid  }
0x8b: {  	s0 =	sand.u32 $0x1, s1  }
0x8c: {  	s16 =	sshll.u32 s0, $0xA;
	s2 =	sadd.s32 s3, s2  }
0x8d: {  	s2 =	sadd.s32 s2, s16  }
0x8e: {  	[smem:$0x3FC2] =	sst s2  }
0x8f: {  	_ = 	snop  }
0x90: {  	(tm) =	ssettm $0x1  }
0x91: {  	s17 =	sld [smem:$0x3FFB];
	_ =	sdelay $0x3  }
0x92: {  	_ =	strace s17  }
0x93: {  	s2 =	sld [smem:$0x3FFC];
	_ =	sdelay $0x3  }
0x94: {  	_ =	strace s2  }
0x95: {  	s2 =	sld [smem:$0x3FFD];
	_ =	sdelay $0x3  }
0x96: {  	_ =	strace s2  }
0x97: {  	_ =	strace $0x8FFFFFFF  }
0x98: {  	s18 =	sld [smem:$0x3FDB];
	_ =	sdelay $0x1  }
0x99: {  	s19 =	simm.s32 $_scs_section_size  }
0x9a: {  	s4 =	simm.s32 $_size__tile_overlayer_lowered;
	s5 =	simm.s32 $_tile_overlayer_lowered  }
0x9b: {  	s22 =	simm.s32 $0x1BFF;
	s21 =	sshll.u32 s5, $0x1;
	s2 =	sadd.s32 s19, s18  }
0x9c: {  	s6 =	simm.s32 $0x0;
	s20 =	sshll.u32 s4, $0x1;
	s4 =	sadd.s32 s21, s2  }
0x9d: {  	[timem:s6], [sflag:s22] =	dma.local [hbm:s4], s20  }
0x9e: {  	_ =	swait.ge [sflag:s22], s20  }
0x9f: {  	s3 =	ssub.s32 $0x0, s20;
	[sflag:s22] =	ssyncset.done $0x0  }
0xa0: {  	[sflag:s22] =	ssyncadd.s32 s3;
	_ =	sdelay $0x1  }
0xa1: {  	s23 =	simm.s32 $0x1B8B  }
0xa2: {  	_ =	swait.ge [sflag:s23], $0x1  }
0xa3: {  	[sflag:s23] =	ssyncset.done $0x0  }
0xa4: {  	s25 =	simm.s32 $0x1B8E;
	s24 =	sld [smem:$0x3FFE];
	[sflag:s23] =	ssyncadd.s32 $0xFFFFFFFF  }
0xa5: {  	s26 =	simm.s32 $execute0_lowered;
	[smem:$0x3FD2] =	sst s25  }
0xa6: {  	s4 =	sshll.u32 s26, $0x1;
	_ =	strace $0x80000049;
	[dreg:$0x1] =	wrdreg $0xFFFFFFFF  }
0xa7: {  	s28 =	simm.s32 $_size_execute0_lowered;
	s2 =	sadd.s32 s2, s4;
	[dreg:$0x0] =	wrdreg $0x0  }
0xa8: {  	s4 =	sshll.u32 s28, $0x1;
	[dreg:$0x2] =	wrdreg s2  }
0xa9: {  	[dreg:$0x3] =	wrdreg s4  }
0xaa: {  	[dreg:$0x4] =	wrdreg $0xC0  }
0xab: {  	_ =	task [dreg:s6], $0x5FFFF  }
0xac: {  	[dreg:$0x1] =	wrdreg $0xFFFFFFFF  }
0xad: {  	[dreg:$0x0] =	wrdreg $0x60  }
0xae: {  	[dreg:$0x2] =	wrdreg s24  }
0xaf: {  	[dreg:$0x3] =	wrdreg $0xFC000  }
0xb0: {  	[dreg:$0x4] =	wrdreg $0x115000  }
0xb1: {  	[dreg:$0x5] =	wrdreg $0x12E000  }
0xb2: {  	[dreg:$0x6] =	wrdreg $0x147000  }
0xb3: {  	[dreg:$0x7] =	wrdreg $0x9  }
0xb4: {  	_ =	task.clear_ibuf [dreg:s6], $0x8FFFF;
	_ =	strace $0x90000049  }
0xb5: {  	s29 =	simm.s32 $0x9;
	_ =	strace $0x8000004B  }
0xb6: {  	_ =	swait.ge [sflag:s29], $0x1  }
0xb7: {  	[sflag:s29] =	ssyncadd.s32 $0xFFFFFFFF  }
0xb8: {  	_ =	strace $0x9000004B  }
0xb9: {  	_ =	sfence  }
0xba: {  	s30 =	sld [smem:$0x0];
	_ =	sdelay $0x2  }
0xbb: {  	s31 =	sshll.u32 s1, $0xD;
	s1 =	sshrl.u32 s1, $0x2  }
0xbc: {  	s3 =	sand.u32 $0x4000, s31;
	s1 =	sadd.s32 s1, s30  }
0xbd: {  	s0 =	sor.u32 s3, s0;
	s1 =	sshll.u32 s1, $0x11  }
0xbe: {  	s0 =	sor.u32 s1, s0  }
0xbf: {  	s0 =	sadd.s32 $0x8F2B, s0  }
0xc0: {  	[sflag:s0] =	ssyncadd.remote.s32 $0x1  }
0xc1: {  	_ =	sfence.sel $0xFFFF  }
0xc2: {  	[dreg:$0x0] =	wrdreg $0xFFFFFFFF;
	(pc) =	sbr.abs _section_cstart, $3  }
0xc3: {  	[dreg:$0x1] =	wrdreg $0xFFFFFFFF  }
0xc4: {  	_ =	task.clear_ibuf [dreg:s6], $0x2FFFF;
	_ =	strace $0x9FFFFFFF  }
0xc5: {  	(tm) =	ssettm $0x7FFFFFFF  }
tec
execute0_lowered:
.L_overlay_start_1:
0x0: {  	(tag) =	ssettag $0x1  }
0x1: {  	s0 =	rddreg [dreg:$0x0]  }
0x2: {  	s1 =	rddreg [dreg:$0x1]  }
0x3: {  	s2 =	rddreg [dreg:$0x2]  }
0x4: {  	s3 =	rddreg [dreg:$0x3]  }
0x5: {  	s4 =	rddreg [dreg:$0x4];
	s5 =	simm.s32 $0x0  }
0x6: {  	s8 =	stileid.u32;
	s6 =	srdreg.scid;
	s28 =	simm.s32 $0x1  }
0x7: {  	s29 =	simm.s32 $0x1F40;
	s30 =	simm.s32 $0x7E00;
	s31 =	simm.s32 $0xBD00  }
0x8: {  	[smem:$0x7FF] =	sst s5;
	s9 =	smul.u32 $0x1900, s8;
	s10 =	sadd.s32 $0x2C00, s0  }
0x9: {  	s11 =	sadd.s32 $0xC6200, s0;
	s12 =	sand.u32 $0x1, s6;
	s16 =	sshll.u32 s8, $0x6  }
0xa: {  	p0 =	sne.s32 s8, $0x0;
	_ =	strace $0x8000004A;
	s25 =	ssub.s32 $0x2, s12  }
0xb: {  	s6 =	sshll.u32 s12, $0x4;
	s7 =	sshrl.u32 s9, $0x3;
	s13 =	sshrl.u32 s25, $0x1  }
0xc: {  	s15 =	sor.u32 s8, s6;
	s19 =	sadd.s32 s9, s1;
	s20 =	sadd.s32 s9, s2  }
0xd: {  	s21 =	sadd.s32 s9, s3;
	s9 =	sadd.s32 s9, s4;
	s14 =	sadd.s32 s7, s0  }
0xe: {  	s0 =	sadd.s32 s6, s0;
	s26 =	smul.u32 $0x61A8, s15;
	s7 =	sadd.s32 $0x189800, s14  }
0xf: {  	s18 =	ssub.s32 s25, s13;
	s15 =	smul.u32 $0x30D40, s15;
	[dreg:$0x6] =	wrdreg s7  }
0x10: {  	s7 =	sor.u32 $0x1C07, s16;
	s17 =	sadd.s32 s10, s26;
	s22 =	sadd.s32 s11, s26  }
0x11: {  	s15 =	sshrl.u32 s15, $0x3;
	s13 =	sadd.s32 $0x5DC0, s26;
	s16 =	smul.u32 $0x61A80, s12  }
0x12: {  	s26 =	smul.u32 $0x61A8, s8;
	s12 =	sadd.s32 $0x18CA00, s14;
	[dreg:$0x7] =	wrdreg s17  }
0x13: {  	s14 =	sadd.s32 $0x18FC00, s14;
	s8 =	simm.s32 $0x5E80;
	[dreg:$0x8] =	wrdreg s22  }
0x14: {  	s15 =	sadd.s32 $0x3E8, s15;
	s25 =	sadd.s32 s10, s13;
	[dreg:$0xb] =	wrdreg s12  }
0x15: {  	s13 =	sadd.s32 s11, s13;
	[dreg:$0xc] =	wrdreg s14;
	s22 =	smax.u32 s18, $0x1  }
0x16: {  	s14 =	simm.s32 $0xDC80;
	s18 =	simm.s32 $0x4;
	[dreg:$0xf] =	wrdreg s25  }
0x17: {  	s23 =	sadd.s32 s10, s15;
	s24 =	sadd.s32 s11, s15;
	[dreg:$0x10] =	wrdreg s22  }
0x18: {  	s10 =	sadd.s32 s16, s10;
	s11 =	sadd.s32 s16, s11;
	[dreg:$0x9] =	wrdreg s23  }
0x19: {  	s15 =	sadd.s32 $0x192E00, s0;
	s0 =	sadd.s32 $0x199200, s0;
	[dreg:$0xa] =	wrdreg s24  }
0x1a: {  	s22 =	simm.s32 $0x7;
	s25 =	sshrl.u32 s21, $0x3;
	[dreg:$0xd] =	wrdreg s15  }
0x1b: {  	s16 =	sadd.s32 s26, s10;
	s17 =	sadd.s32 s26, s11;
	[dreg:$0xe] =	wrdreg s0  }
0x1c: {  	s23 =	sshrl.u32 s19, $0x3;
	s24 =	sshrl.u32 s20, $0x3;
	[dreg:$0x13] =	wrdreg s25  }
0x1d: {  	s26 =	sshrl.u32 s9, $0x3;
	s0 =	simm.s32 $0x1F80;
	s9 =	simm.s32 $0x3  }
0x1e: {  	s10 =	simm.s32 $0x2;
	s11 =	simm.s32 $0x9D80;
	[dreg:$0x11] =	wrdreg s23  }
0x1f: {  	s15 =	simm.s32 $0x5;
	s19 =	simm.s32 $0x6;
	[dreg:$0x12] =	wrdreg s24  }
0x20: {  	s20 =	simm.s32 $0x0;
	[dreg:$0x14] =	wrdreg s26;
	s26 =	simm.s32 $0x3F00  }
.LBB2_1:
0x21: {  	s6 =	rddreg [dreg:$0x6]  }
0x22: {  	s12 =	rddreg [dreg:$0x11]  }
0x23: {  	[spmem:s12], [sflag:s7] =	dma.local [hbm:s6], $0x320  }
0x24: {  	_ =	swait.ge [sflag:s22], $0x320  }
0x25: {  	[sflag:s22] =	ssyncset.done $0x0  }
0x26: {  	s25 =	rddreg [dreg:$0x12];
	[sflag:s22] =	ssyncadd.s32 $0xFFFFFCE0  }
0x27: {  	[spmem:s25], [sflag:s7] =	dma.local [hbm:s6], $0x320  }
0x28: {  	_ =	swait.ge [sflag:s22], $0x320  }
0x29: {  	[sflag:s22] =	ssyncset.done $0x0;
	s21 =	rddreg [dreg:$0xb]  }
0x2a: {  	s23 =	rddreg [dreg:$0x13];
	[sflag:s22] =	ssyncadd.s32 $0xFFFFFCE0  }
0x2b: {  	[spmem:s23], [sflag:s7] =	dma.local [hbm:s21], $0x320  }
0x2c: {  	_ =	swait.ge [sflag:s22], $0x320  }
0x2d: {  	[sflag:s22] =	ssyncset.done $0x0;
	s24 =	rddreg [dreg:$0xc]  }
0x2e: {  	s25 =	rddreg [dreg:$0x14];
	[sflag:s22] =	ssyncadd.s32 $0xFFFFFCE0  }
0x2f: {  	[spmem:s25], [sflag:s7] =	dma.local [hbm:s24], $0x320  }
0x30: {  	_ =	swait.ge [sflag:s22], $0x320  }
0x31: {  	[sflag:s22] =	ssyncset.done $0x0  }
0x32: {  	[sflag:s22] =	ssyncadd.s32 $0xFFFFFCE0  }
0x33: {  	[bflag:$0x0] =	sbarrier.arrive $0xFFFF  }
0x34: {  	s21 =	rddreg [dreg:$0x7]  }
0x35: {  	[tilespmem:s5], [sflag:$0x1] =	stream.linear.gather [hbm4b:s21+s5], $0x1F40, $0x38;
	[tilespmem:$0x16000] =	vst v63  }
0x36: {  	s23 =	rddreg [dreg:$0x8]  }
0x37: {  	[tilespmem:s26], [sflag:$0x1] =	stream.linear.gather [hbm4b:s23+s5], $0x1F40, $0x38;
	[tilespmem:$0x16000] =	vst v63  }
0x38: {  	_ =	swait.ge [sflag:s28], $0x1F40  }
0x39: {  	[sflag:s28] =	ssyncset.done $0x0  }
0x3a: {  	[sflag:s28] =	ssyncadd.s32 $0xFFFFE0C0  }
0x3b: {  	_ =	swait.ge [sflag:s28], $0x1F40  }
0x3c: {  	[sflag:s28] =	ssyncset.done $0x0  }
0x3d: {  	[sflag:s28] =	ssyncadd.s32 $0xFFFFE0C0  }
0x3e: {  	[tilespmem:s30], [sflag:$0x3] =	stream.indirect.gather [spmem:s3], $0x1, s5, s29, $0xb8;
	[tilespmem:$0x16000] =	vst v63  }
0x3f: {  	_ = 	snop  }
0x40: {  	[tilespmem:s31], [sflag:$0x3] =	stream.indirect.gather [spmem:s4], $0x1, s5, s29, $0xb8;
	[tilespmem:$0x16000] =	vst v63  }
0x41: {  	s24 =	rddreg [dreg:$0x9]  }
0x42: {  	[tilespmem:s0], [sflag:$0x2] =	stream.linear.gather [hbm4b:s24+s5], $0x1F40, $0x38;
	[tilespmem:$0x16000] =	vst v63  }
0x43: {  	s25 =	rddreg [dreg:$0xa]  }
0x44: {  	[tilespmem:s8], [sflag:$0x2] =	stream.linear.gather [hbm4b:s25+s5], $0x1F40, $0x38;
	[tilespmem:$0x16000] =	vst v63  }
0x45: {  	_ =	swait.ge [sflag:s9], $0x1F40  }
0x46: {  	[sflag:s9] =	ssyncset.done $0x0  }
0x47: {  	[sflag:s9] =	ssyncadd.s32 $0xFFFFE0C0  }
0x48: {  	_ =	swait.ge [sflag:s9], $0x1F40  }
0x49: {  	[sflag:s9] =	ssyncset.done $0x0  }
0x4a: {  	[sflag:s9] =	ssyncadd.s32 $0xFFFFE0C0  }
0x4b: {  	[spmem:s1] =	stream.indirect.scatter.add.f32 [tilespmem:s30], [sflag:$0x5], $0x1, s26, s29, $0xb8;
	[tilespmem:$0x16000] =	vst v63  }
0x4c: {  	_ = 	snop  }
0x4d: {  	[spmem:s2] =	stream.indirect.scatter.add.f32 [tilespmem:s31], [sflag:$0x5], $0x1, s26, s29, $0xb8;
	[tilespmem:$0x16000] =	vst v63  }
0x4e: {  	_ =	swait.ge [sflag:s10], $0x1F40  }
0x4f: {  	[sflag:s10] =	ssyncset.done $0x0  }
0x50: {  	[sflag:s10] =	ssyncadd.s32 $0xFFFFE0C0  }
0x51: {  	_ =	swait.ge [sflag:s10], $0x1F40  }
0x52: {  	[sflag:s10] =	ssyncset.done $0x0  }
0x53: {  	[sflag:s10] =	ssyncadd.s32 $0xFFFFE0C0  }
0x54: {  	[tilespmem:s11], [sflag:$0x4] =	stream.indirect.gather [spmem:s3], $0x1, s0, s29, $0xb8;
	[tilespmem:$0x16000] =	vst v63  }
0x55: {  	_ = 	snop  }
0x56: {  	[tilespmem:s14], [sflag:$0x4] =	stream.indirect.gather [spmem:s4], $0x1, s0, s29, $0xb8;
	[tilespmem:$0x16000] =	vst v63  }
0x57: {  	_ =	swait.ge [sflag:s15], $0x1F40  }
0x58: {  	[sflag:s15] =	ssyncset.done $0x0  }
0x59: {  	[sflag:s15] =	ssyncadd.s32 $0xFFFFE0C0  }
0x5a: {  	_ =	swait.ge [sflag:s15], $0x1F40  }
0x5b: {  	s21 =	sadd.s32 $0x0, s16;
	[sflag:s15] =	ssyncset.done $0x0  }
0x5c: {  	s23 =	sadd.s32 $0x7D0, s21;
	s24 =	sadd.s32 $0x0, s17;
	[sflag:s15] =	ssyncadd.s32 $0xFFFFE0C0  }
0x5d: {  	[tilespmem:s5], [sflag:$0x1] =	stream.linear.gather [hbm4b:s23+s5], $0x1F40, $0x38;
	[tilespmem:$0x16000] =	vst v63  }
0x5e: {  	s12 =	sadd.s32 $0x7D0, s24  }
0x5f: {  	[tilespmem:s26], [sflag:$0x1] =	stream.linear.gather [hbm4b:s12+s5], $0x1F40, $0x38;
	[tilespmem:$0x16000] =	vst v63  }
0x60: {  	_ =	swait.ge [sflag:s18], $0x1F40  }
0x61: {  	[sflag:s18] =	ssyncset.done $0x0  }
0x62: {  	[sflag:s18] =	ssyncadd.s32 $0xFFFFE0C0  }
0x63: {  	_ =	swait.ge [sflag:s18], $0x1F40  }
0x64: {  	[sflag:s18] =	ssyncset.done $0x0  }
0x65: {  	[sflag:s18] =	ssyncadd.s32 $0xFFFFE0C0  }
0x66: {  	[spmem:s1] =	stream.indirect.scatter.add.f32 [tilespmem:s11], [sflag:$0x6], $0x1, s8, s29, $0xb8;
	[tilespmem:$0x16000] =	vst v63  }
0x67: {  	_ = 	snop  }
0x68: {  	[spmem:s2] =	stream.indirect.scatter.add.f32 [tilespmem:s14], [sflag:$0x6], $0x1, s8, s29, $0xb8;
	[tilespmem:$0x16000] =	vst v63  }
0x69: {  	_ =	swait.ge [sflag:s28], $0x1F40  }
0x6a: {  	[sflag:s28] =	ssyncset.done $0x0  }
0x6b: {  	[sflag:s28] =	ssyncadd.s32 $0xFFFFE0C0  }
0x6c: {  	_ =	swait.ge [sflag:s28], $0x1F40  }
0x6d: {  	[sflag:s28] =	ssyncset.done $0x0  }
0x6e: {  	[sflag:s28] =	ssyncadd.s32 $0xFFFFE0C0  }
0x6f: {  	[tilespmem:s30], [sflag:$0x3] =	stream.indirect.gather [spmem:s3], $0x1, s5, s29, $0xb8;
	[tilespmem:$0x16000] =	vst v63  }
0x70: {  	_ = 	snop  }
0x71: {  	[tilespmem:s31], [sflag:$0x3] =	stream.indirect.gather [spmem:s4], $0x1, s5, s29, $0xb8;
	[tilespmem:$0x16000] =	vst v63  }
0x72: {  	_ =	swait.ge [sflag:s19], $0x1F40  }
0x73: {  	[sflag:s19] =	ssyncset.done $0x0  }
0x74: {  	[sflag:s19] =	ssyncadd.s32 $0xFFFFE0C0  }
0x75: {  	_ =	swait.ge [sflag:s19], $0x1F40  }
0x76: {  	[sflag:s19] =	ssyncset.done $0x0  }
0x77: {  	s21 =	sadd.s32 $0xBB8, s21;
	[sflag:s19] =	ssyncadd.s32 $0xFFFFE0C0  }
0x78: {  	[tilespmem:s0], [sflag:$0x2] =	stream.linear.gather [hbm4b:s21+s5], $0x1F40, $0x38;
	[tilespmem:$0x16000] =	vst v63  }
0x79: {  	s25 =	sadd.s32 $0xBB8, s24  }
0x7a: {  	[tilespmem:s8], [sflag:$0x2] =	stream.linear.gather [hbm4b:s25+s5], $0x1F40, $0x38;
	[tilespmem:$0x16000] =	vst v63  }
0x7b: {  	_ =	swait.ge [sflag:s9], $0x1F40  }
0x7c: {  	[sflag:s9] =	ssyncset.done $0x0  }
0x7d: {  	[sflag:s9] =	ssyncadd.s32 $0xFFFFE0C0  }
0x7e: {  	_ =	swait.ge [sflag:s9], $0x1F40  }
0x7f: {  	[sflag:s9] =	ssyncset.done $0x0  }
0x80: {  	s21 =	simm.s32 $0x7D0;
	[sflag:s9] =	ssyncadd.s32 $0xFFFFE0C0  }
0x81: {  	[spmem:s1] =	stream.indirect.scatter.add.f32 [tilespmem:s30], [sflag:$0x5], $0x1, s26, s29, $0xb8;
	[tilespmem:$0x16000] =	vst v63  }
.LBB2_2:
0x82: {  	[spmem:s2] =	stream.indirect.scatter.add.f32 [tilespmem:s31], [sflag:$0x5], $0x1, s26, s29, $0xb8;
	[tilespmem:$0x16000] =	vst v63  }
0x83: {  	s23 =	smov.u32 s21  }
0x84: {  	p1 =	sne.s32 s21, $0x4E20;
	s21 =	sadd.s32 $0x7D0, s21;
	_ =	swait.ge [sflag:s10], $0x1F40  }
0x85: {  	[sflag:s10] =	ssyncset.done $0x0  }
0x86: {  	[sflag:s10] =	ssyncadd.s32 $0xFFFFE0C0  }
0x87: {  	_ =	swait.ge [sflag:s10], $0x1F40  }
0x88: {  	[sflag:s10] =	ssyncset.done $0x0  }
0x89: {  	[sflag:s10] =	ssyncadd.s32 $0xFFFFE0C0  }
0x8a: {  	[tilespmem:s11], [sflag:$0x4] =	stream.indirect.gather [spmem:s3], $0x1, s0, s29, $0xb8;
	[tilespmem:$0x16000] =	vst v63  }
0x8b: {  	_ = 	snop  }
0x8c: {  	[tilespmem:s14], [sflag:$0x4] =	stream.indirect.gather [spmem:s4], $0x1, s0, s29, $0xb8;
	[tilespmem:$0x16000] =	vst v63  }
0x8d: {  	_ =	swait.ge [sflag:s15], $0x1F40  }
0x8e: {  	[sflag:s15] =	ssyncset.done $0x0  }
0x8f: {  	[sflag:s15] =	ssyncadd.s32 $0xFFFFE0C0  }
0x90: {  	_ =	swait.ge [sflag:s15], $0x1F40  }
0x91: {  	s24 =	sadd.s32 s23, s16;
	[sflag:s15] =	ssyncset.done $0x0  }
0x92: {  	s23 =	sadd.s32 s23, s17;
	s25 =	sadd.s32 $0x7D0, s24;
	[sflag:s15] =	ssyncadd.s32 $0xFFFFE0C0  }
0x93: {  	[tilespmem:s5], [sflag:$0x1] =	stream.linear.gather [hbm4b:s25+s5], $0x1F40, $0x38;
	[tilespmem:$0x16000] =	vst v63  }
0x94: {  	s25 =	sadd.s32 $0x7D0, s23  }
0x95: {  	[tilespmem:s26], [sflag:$0x1] =	stream.linear.gather [hbm4b:s25+s5], $0x1F40, $0x38;
	[tilespmem:$0x16000] =	vst v63  }
0x96: {  	_ =	swait.ge [sflag:s18], $0x1F40  }
0x97: {  	[sflag:s18] =	ssyncset.done $0x0  }
0x98: {  	[sflag:s18] =	ssyncadd.s32 $0xFFFFE0C0  }
0x99: {  	_ =	swait.ge [sflag:s18], $0x1F40  }
0x9a: {  	[sflag:s18] =	ssyncset.done $0x0  }
0x9b: {  	[sflag:s18] =	ssyncadd.s32 $0xFFFFE0C0  }
0x9c: {  	[spmem:s1] =	stream.indirect.scatter.add.f32 [tilespmem:s11], [sflag:$0x6], $0x1, s8, s29, $0xb8;
	[tilespmem:$0x16000] =	vst v63  }
0x9d: {  	_ = 	snop  }
0x9e: {  	[spmem:s2] =	stream.indirect.scatter.add.f32 [tilespmem:s14], [sflag:$0x6], $0x1, s8, s29, $0xb8;
	[tilespmem:$0x16000] =	vst v63  }
0x9f: {  	_ =	swait.ge [sflag:s28], $0x1F40  }
0xa0: {  	[sflag:s28] =	ssyncset.done $0x0  }
0xa1: {  	[sflag:s28] =	ssyncadd.s32 $0xFFFFE0C0  }
0xa2: {  	_ =	swait.ge [sflag:s28], $0x1F40  }
0xa3: {  	[sflag:s28] =	ssyncset.done $0x0  }
0xa4: {  	[sflag:s28] =	ssyncadd.s32 $0xFFFFE0C0  }
0xa5: {  	[tilespmem:s30], [sflag:$0x3] =	stream.indirect.gather [spmem:s3], $0x1, s5, s29, $0xb8;
	[tilespmem:$0x16000] =	vst v63  }
0xa6: {  	_ = 	snop  }
0xa7: {  	[tilespmem:s31], [sflag:$0x3] =	stream.indirect.gather [spmem:s4], $0x1, s5, s29, $0xb8;
	[tilespmem:$0x16000] =	vst v63  }
0xa8: {  	_ =	swait.ge [sflag:s19], $0x1F40  }
0xa9: {  	[sflag:s19] =	ssyncset.done $0x0  }
0xaa: {  	[sflag:s19] =	ssyncadd.s32 $0xFFFFE0C0  }
0xab: {  	_ =	swait.ge [sflag:s19], $0x1F40  }
0xac: {  	[sflag:s19] =	ssyncset.done $0x0  }
0xad: {  	s24 =	sadd.s32 $0xBB8, s24;
	[sflag:s19] =	ssyncadd.s32 $0xFFFFE0C0  }
0xae: {  	[tilespmem:s0], [sflag:$0x2] =	stream.linear.gather [hbm4b:s24+s5], $0x1F40, $0x38;
	[tilespmem:$0x16000] =	vst v63  }
0xaf: {  	s23 =	sadd.s32 $0xBB8, s23  }
0xb0: {  	[tilespmem:s8], [sflag:$0x2] =	stream.linear.gather [hbm4b:s23+s5], $0x1F40, $0x38;
	[tilespmem:$0x16000] =	vst v63  }
0xb1: {  	_ =	swait.ge [sflag:s9], $0x1F40  }
0xb2: {  	[sflag:s9] =	ssyncset.done $0x0  }
.Ltmp0:
0xb3: {  	[sflag:s9] =	ssyncadd.s32 $0xFFFFE0C0;
	(pc) =	sbr.rel @p1 .LBB2_2-.Ltmp0, $4  }
0xb4: {  	_ =	swait.ge [sflag:s9], $0x1F40  }
0xb5: {  	[sflag:s9] =	ssyncset.done $0x0  }
0xb6: {  	[sflag:s9] =	ssyncadd.s32 $0xFFFFE0C0  }
0xb7: {  	[spmem:s1] =	stream.indirect.scatter.add.f32 [tilespmem:s30], [sflag:$0x5], $0x1, s26, s29, $0xb8;
	[tilespmem:$0x16000] =	vst v63  }
0xb8: {  	[spmem:s2] =	stream.indirect.scatter.add.f32 [tilespmem:s31], [sflag:$0x5], $0x1, s26, s29, $0xb8;
	[tilespmem:$0x16000] =	vst v63  }
0xb9: {  	_ =	swait.ge [sflag:s10], $0x1F40  }
0xba: {  	[sflag:s10] =	ssyncset.done $0x0  }
0xbb: {  	[sflag:s10] =	ssyncadd.s32 $0xFFFFE0C0  }
0xbc: {  	_ =	swait.ge [sflag:s10], $0x1F40  }
0xbd: {  	[sflag:s10] =	ssyncset.done $0x0  }
0xbe: {  	[sflag:s10] =	ssyncadd.s32 $0xFFFFE0C0  }
0xbf: {  	[tilespmem:s11], [sflag:$0x4] =	stream.indirect.gather [spmem:s3], $0x1, s0, s29, $0xb8;
	[tilespmem:$0x16000] =	vst v63  }
0xc0: {  	_ = 	snop  }
0xc1: {  	[tilespmem:s14], [sflag:$0x4] =	stream.indirect.gather [spmem:s4], $0x1, s0, s29, $0xb8;
	[tilespmem:$0x16000] =	vst v63  }
0xc2: {  	_ =	swait.ge [sflag:s15], $0x1F40  }
0xc3: {  	[sflag:s15] =	ssyncset.done $0x0  }
0xc4: {  	[sflag:s15] =	ssyncadd.s32 $0xFFFFE0C0  }
0xc5: {  	_ =	swait.ge [sflag:s15], $0x1F40  }
0xc6: {  	[sflag:s15] =	ssyncset.done $0x0  }
0xc7: {  	s6 =	rddreg [dreg:$0xf];
	[sflag:s15] =	ssyncadd.s32 $0xFFFFE0C0  }
0xc8: {  	[tilespmem:s5], [sflag:$0x1] =	stream.linear.gather [hbm4b:s6+s5], $0x1F40, $0x38;
	[tilespmem:$0x16000] =	vst v63  }
0xc9: {  	_ = 	snop  }
0xca: {  	[tilespmem:s26], [sflag:$0x1] =	stream.linear.gather [hbm4b:s13+s5], $0x1F40, $0x38;
	[tilespmem:$0x16000] =	vst v63  }
0xcb: {  	_ =	swait.ge [sflag:s18], $0x1F40  }
0xcc: {  	[sflag:s18] =	ssyncset.done $0x0  }
0xcd: {  	[sflag:s18] =	ssyncadd.s32 $0xFFFFE0C0  }
0xce: {  	_ =	swait.ge [sflag:s18], $0x1F40  }
0xcf: {  	[sflag:s18] =	ssyncset.done $0x0  }
0xd0: {  	[sflag:s18] =	ssyncadd.s32 $0xFFFFE0C0  }
0xd1: {  	[spmem:s1] =	stream.indirect.scatter.add.f32 [tilespmem:s11], [sflag:$0x6], $0x1, s8, s29, $0xb8;
	[tilespmem:$0x16000] =	vst v63  }
0xd2: {  	_ = 	snop  }
0xd3: {  	[spmem:s2] =	stream.indirect.scatter.add.f32 [tilespmem:s14], [sflag:$0x6], $0x1, s8, s29, $0xb8;
	[tilespmem:$0x16000] =	vst v63  }
0xd4: {  	_ =	swait.ge [sflag:s28], $0x1F40  }
0xd5: {  	[sflag:s28] =	ssyncset.done $0x0  }
0xd6: {  	[sflag:s28] =	ssyncadd.s32 $0xFFFFE0C0  }
0xd7: {  	_ =	swait.ge [sflag:s28], $0x1F40  }
0xd8: {  	[sflag:s28] =	ssyncset.done $0x0  }
0xd9: {  	[sflag:s28] =	ssyncadd.s32 $0xFFFFE0C0  }
0xda: {  	[tilespmem:s30], [sflag:$0x3] =	stream.indirect.gather [spmem:s3], $0x1, s5, s29, $0xb8;
	[tilespmem:$0x16000] =	vst v63  }
0xdb: {  	_ = 	snop  }
0xdc: {  	[tilespmem:s31], [sflag:$0x3] =	stream.indirect.gather [spmem:s4], $0x1, s5, s29, $0xb8;
	[tilespmem:$0x16000] =	vst v63  }
0xdd: {  	_ =	swait.ge [sflag:s19], $0x1F40  }
0xde: {  	[sflag:s19] =	ssyncset.done $0x0  }
0xdf: {  	[sflag:s19] =	ssyncadd.s32 $0xFFFFE0C0  }
0xe0: {  	_ =	swait.ge [sflag:s19], $0x1F40  }
0xe1: {  	[sflag:s19] =	ssyncset.done $0x0  }
0xe2: {  	[sflag:s19] =	ssyncadd.s32 $0xFFFFE0C0  }
0xe3: {  	[tilespmem:s0], [sflag:$0x2] =	stream.linear.gather [hbm4b:s6+s5], $0x1F40, $0x38;
	[tilespmem:$0x16000] =	vst v63  }
0xe4: {  	_ = 	snop  }
0xe5: {  	[tilespmem:s8], [sflag:$0x2] =	stream.linear.gather [hbm4b:s13+s5], $0x1F40, $0x38;
	[tilespmem:$0x16000] =	vst v63  }
0xe6: {  	_ =	swait.ge [sflag:s9], $0x1F40  }
0xe7: {  	[sflag:s9] =	ssyncset.done $0x0  }
0xe8: {  	[sflag:s9] =	ssyncadd.s32 $0xFFFFE0C0  }
0xe9: {  	_ =	swait.ge [sflag:s9], $0x1F40  }
0xea: {  	[sflag:s9] =	ssyncset.done $0x0  }
0xeb: {  	[sflag:s9] =	ssyncadd.s32 $0xFFFFE0C0  }
0xec: {  	[spmem:s1] =	stream.indirect.scatter.add.f32 [tilespmem:s30], [sflag:$0x5], $0x1, s26, s29, $0xb8;
	[tilespmem:$0x16000] =	vst v63  }
0xed: {  	_ = 	snop  }
0xee: {  	[spmem:s2] =	stream.indirect.scatter.add.f32 [tilespmem:s31], [sflag:$0x5], $0x1, s26, s29, $0xb8;
	[tilespmem:$0x16000] =	vst v63  }
0xef: {  	_ =	swait.ge [sflag:s10], $0x1F40  }
0xf0: {  	[sflag:s10] =	ssyncset.done $0x0  }
0xf1: {  	[sflag:s10] =	ssyncadd.s32 $0xFFFFE0C0  }
0xf2: {  	_ =	swait.ge [sflag:s10], $0x1F40  }
0xf3: {  	[sflag:s10] =	ssyncset.done $0x0  }
0xf4: {  	[sflag:s10] =	ssyncadd.s32 $0xFFFFE0C0  }
0xf5: {  	_ =	swait.ge [sflag:s15], $0x1F40  }
0xf6: {  	[sflag:s15] =	ssyncset.done $0x0  }
0xf7: {  	[sflag:s15] =	ssyncadd.s32 $0xFFFFE0C0  }
0xf8: {  	_ =	swait.ge [sflag:s15], $0x1F40  }
0xf9: {  	[sflag:s15] =	ssyncset.done $0x0  }
0xfa: {  	[sflag:s15] =	ssyncadd.s32 $0xFFFFE0C0  }
0xfb: {  	s21 =	sshrl.u32 @!p0 s1, $0x3;
	s23 =	simm.s32 @!p0 $0x1;
	[bflag:$0x0] =	sbarrier.arrive $0xFFFF  }
0xfc: {  	s24 =	simm.s32 @!p0 $0x20;
	s25 =	simm.s32 @!p0 $0x10;
	s6 =	rddreg [dreg:$0xd]  }
0xfd: {  	[hbm:s6@s24], [sflag:s7] =	dma.strided @!p0 [spmem:s21@s25], $0x3200, s23, $0x10   }
0xfe: {  	s21 =	simm.s32 @!p0 $0x7  }
0xff: {  	_ =	swait.ge @!p0 [sflag:s21], $0x3200  }
0x100: {  	[sflag:s21] =	ssyncset.done @!p0 $0x0  }
0x101: {  	s6 =	sshrl.u32 @!p0 s2, $0x3;
	s12 =	rddreg [dreg:$0xe];
	[sflag:s21] =	ssyncadd.s32 @!p0 $0xFFFFCE00  }
0x102: {  	[hbm:s12@s24], [sflag:s7] =	dma.strided @!p0 [spmem:s6@s25], $0x3200, s23, $0x10   }
0x103: {  	_ =	swait.ge @!p0 [sflag:s21], $0x3200  }
0x104: {  	s20 =	sadd.s32 $0x1, s20;
	s25 =	rddreg [dreg:$0x10]  }
0x105: {  	p1 =	sne.s32 s20, s25  }
.Ltmp1:
0x106: {  	_ = 	snop;
	(pc) =	sbr.rel @p1 .LBB2_1-.Ltmp1, $3  }
0x107: {  	_ =	sdelay $0x1  }
0x108: {  	[sflag:s21] =	ssyncset.done @!p0 $0x0  }
0x109: {  	[sflag:s21] =	ssyncadd.s32 @!p0 $0xFFFFCE00  }
0x10a: {  	_ =	sfence.sel $0x180000  }
0x10b: {  	[bflag:$0x0] =	sbarrier.arrive $0xFFFF  }
0x10c: {  	_ =	strace $0x9000004A  }
0x10d: {  	[bflag:$0x2] =	sbarrier.arrive $0xFFFF  }
0x10e: {  	s0 =	rddreg [dreg:$0x5]  }
0x10f: {  	s0 =	sadd.s32 @!p0 $0x100000, s0  }
0x110: {  	[sflag:s0] =	ssyncadd.tile.s32 @!p0 $0x1;
	_ =	shalt  }
.Lfunc_end2:
_tile_overlayer_lowered:
.L_overlay_start_2:
0x111: {  	(tag) =	ssettag $0x2  }
0x112: {  	s0 =	rddreg [dreg:$0x0];
	s2 =	stileid.u32  }
0x113: {  	s1 =	rddreg [dreg:$0x1];
	p0 =	sne.s32 s2, $0x0  }
0x114: {  	s3 =	rddreg [dreg:$0x2];
	[bflag:$0x3] =	sbarrier.arrive $0xFFFF;
	s2 =	simm.s32 @!p0 $0x1C07  }
0x115: {  	[timem:s3], [sflag:s2] =	dma.local @!p0 [hbm:s0], s1  }
0x116: {  	s0 =	simm.s32 @!p0 $0x7  }
0x117: {  	_ =	swait.ge @!p0 [sflag:s0], s1  }
0x118: {  	s1 =	ssub.s32 @!p0 $0x0, s1;
	[sflag:s0] =	ssyncset.done @!p0 $0x0  }
0x119: {  	[sflag:s0] =	ssyncadd.s32 @!p0 s1  }
0x11a: {  	[bflag:$0x3] =	sbarrier.arrive $0xFFFF  }
0x11b: {  	_ =	shalt  }

// kernel: kernel.14.cloned.1.call-start
scs
__scs_entry_jumppad:
0x0: {  	(pc) =	sbr.rel $0x88, $3  }
0x1: {  	(tag) =	ssettag $0x0;
	lr =	simm.s32 $0x1  }
0x2: {  	[smem:$0x3F9B] =	sst lr;
	_ =	strace $0xD0000000  }
0x3: {  	_ = 	snop  }
0x4: {  	_ = 	snop  }
0x5: {  	_ = 	snop  }
0x6: {  	_ = 	snop  }
0x7: {  	_ = 	snop  }
__scs_overlays_trampoline_lowered:
0x8: {  	[smem:$0x3FAA] =	sst s0  }
0x9: {  	[smem:$0x3FAB] =	sst s1  }
0xa: {  	[smem:$0x3FAC] =	sst s2  }
0xb: {  	[smem:$0x3FAD] =	sst s3  }
0xc: {  	[smem:$0x3FAE] =	sst s4  }
0xd: {  	[smem:$0x3FAF] =	sst s5  }
0xe: {  	[smem:$0x3FB0] =	sst s6  }
0xf: {  	[smem:$0x3FB1] =	sst s7  }
0x10: {  	[smem:$0x3FB2] =	sst s8  }
0x11: {  	[smem:$0x3FB3] =	sst s9;
	s0 =	simm.s32 @!p0 $0x0  }
0x12: {  	s1 =	sld [smem:$0x3F99];
	s0 =	simm.s32 @p0 $0x1  }
0x13: {  	[smem:$0x3FB4] =	sst s0;
	s0 =	simm.s32 @!p1 $0x0  }
0x14: {  	s2 =	sld [smem:$0x3F98];
	s0 =	simm.s32 @p1 $0x1  }
0x15: {  	[smem:$0x3FB5] =	sst s0;
	s0 =	simm.s32 @!p2 $0x0  }
0x16: {  	s3 =	sld [smem:$0x3FDB];
	s0 =	simm.s32 @p2 $0x1  }
0x17: {  	s4 =	simm.s32 $0x1BF5;
	[smem:$0x3FB7] =	sst s0  }
0x18: {  	s0 =	sld [smem:$0x3F9A];
	_ =	swait.ge [sflag:s4], $0x0  }
0x19: {  	s7 =	sld [smem:$0x3F9B]  }
0x1a: {  	s8 =	sadd.s32 $0xFFFFE003, lr  }
0x1b: {  	s9 =	sadd.s32 $0xFFFFFEF7, lr;
	s5 =	simm.s32 $0xFFFFFFFF;
	p2 =	slt.u32 s8, $0xFFFFF086  }
0x1c: {  	p1 =	slt.u32 s9, $0xF7A;
	s5 =	simm.s32 @!p2 $0x0  }
0x1d: {  	s5 =	simm.s32 @p1 $0x1;
	p0 =	seq.s32 s7, s2  }
0x1e: {  	s7 =	smul.u32 @!p0 $0xF7A, s2;
	p2 =	seq.s32 @!p0 s5, $0x0  }
0x1f: {  	s9 =	smul.u32 $0xF7A, s1;
	s8 =	simm.s32 @!p0 $0x1BF5;
	p2 =	por !p2, p0  }
0x20: {  	[sflag:s8] =	ssyncset.s32 @!p0 $0xFFFFF086;
	s6 =	sadd.s32 @!p0 s3, s7;
	s7 =	simm.s32 @!p0 $0x108  }
0x21: {  	s3 =	sadd.s32 s3, s9;
	s6 =	sadd.s32 @!p0 $0x88, s6;
	s7 =	simm.s32 @p2 $0x1082  }
0x22: {  	[simem:s7], [sflag:s8] =	dma.local @!p0 [hbm:s6], $0xF7A  }
0x23: {  	s9 =	sor.u32 $0xD0000000, s2;
	s6 =	simm.s32 $0x108;
	_ =	swait.ge @!p0 [sflag:s8], $0x0  }
0x24: {  	s3 =	sadd.s32 $0x88, s3;
	s6 =	simm.s32 @!p1 $0x1082;
	[sflag:s4] =	ssyncset.s32 $0xFFFFF086  }
0x25: {  	[simem:s6], [sflag:s4] =	dma.local [hbm:s3], $0xF7A  }
0x26: {  	[smem:$0x3F9B] =	sst s1;
	(tag) =	ssettag s2;
	_ =	strace s9  }
0x27: {  	s1 =	sld [smem:$0x3FAB]  }
0x28: {  	s2 =	sld [smem:$0x3FAC]  }
0x29: {  	s4 =	sld [smem:$0x3FAE]  }
0x2a: {  	p0 =	seq.s32 s5, $0x0;
	s5 =	sld [smem:$0x3FAF]  }
0x2b: {  	s6 =	sld [smem:$0x3FB0]  }
0x2c: {  	s7 =	sld [smem:$0x3FB1]  }
0x2d: {  	s3 =	simm.s32 $0x108;
	s8 =	sld [smem:$0x3FB2]  }
0x2e: {  	s3 =	simm.s32 @!p0 $0x1082;
	s9 =	sld [smem:$0x3FB3]  }
0x2f: {  	lr =	sadd.s32 s0, s3;
	s0 =	sld [smem:$0x3FAA]  }
0x30: {  	s3 =	sld [smem:$0x3FAD]  }
0x31: {  	[smem:$0x3FB6] =	sst s10  }
0x32: {  	s10 =	sld [smem:$0x3FB4];
	_ =	sdelay $0x3  }
0x33: {  	p0 =	seq.s32 s10, $0x1;
	s10 =	sld [smem:$0x3FB6];
	_ =	sdelay $0x3  }
0x34: {  	[smem:$0x3FB6] =	sst s10  }
0x35: {  	s10 =	sld [smem:$0x3FB5];
	_ =	sdelay $0x3  }
0x36: {  	p1 =	seq.s32 s10, $0x1;
	s10 =	sld [smem:$0x3FB6];
	_ =	sdelay $0x3  }
0x37: {  	[smem:$0x3FB6] =	sst s10  }
0x38: {  	s10 =	sld [smem:$0x3FB7]  }
0x39: {  	_ = 	snop;
	(pc) =	sbr.ind lr, $3  }
0x3a: {  	_ = 	snop  }
0x3b: {  	_ = 	snop  }
0x3c: {  	p2 =	seq.s32 s10, $0x1;
	s10 =	sld [smem:$0x3FB6]  }
0x3d: {  	_ =	shalt  }
0x3e: {  	_ =	shalt  }
0x3f: {  	_ =	shalt  }
0x40: {  	_ =	shalt  }
0x41: {  	_ =	shalt  }
0x42: {  	_ =	shalt  }
0x43: {  	_ =	shalt  }
0x44: {  	_ =	shalt  }
0x45: {  	_ =	shalt  }
0x46: {  	_ =	shalt  }
0x47: {  	_ =	shalt  }
0x48: {  	_ =	shalt  }
0x49: {  	_ =	shalt  }
0x4a: {  	_ =	shalt  }
0x4b: {  	_ =	shalt  }
0x4c: {  	_ =	shalt  }
0x4d: {  	_ =	shalt  }
0x4e: {  	_ =	shalt  }
0x4f: {  	_ =	shalt  }
0x50: {  	_ =	shalt  }
0x51: {  	_ =	shalt  }
0x52: {  	_ =	shalt  }
0x53: {  	_ =	shalt  }
0x54: {  	_ =	shalt  }
0x55: {  	_ =	shalt  }
0x56: {  	_ =	shalt  }
0x57: {  	_ =	shalt  }
0x58: {  	_ =	shalt  }
0x59: {  	_ =	shalt  }
0x5a: {  	_ =	shalt  }
0x5b: {  	_ =	shalt  }
0x5c: {  	_ =	shalt  }
0x5d: {  	_ =	shalt  }
0x5e: {  	_ =	shalt  }
0x5f: {  	_ =	shalt  }
0x60: {  	_ =	shalt  }
0x61: {  	_ =	shalt  }
0x62: {  	_ =	shalt  }
0x63: {  	_ =	shalt  }
0x64: {  	_ =	shalt  }
0x65: {  	_ =	shalt  }
0x66: {  	_ =	shalt  }
0x67: {  	_ =	shalt  }
0x68: {  	_ =	shalt  }
0x69: {  	_ =	shalt  }
0x6a: {  	_ =	shalt  }
0x6b: {  	_ =	shalt  }
0x6c: {  	_ =	shalt  }
0x6d: {  	_ =	shalt  }
0x6e: {  	_ =	shalt  }
0x6f: {  	_ =	shalt  }
0x70: {  	_ =	shalt  }
0x71: {  	_ =	shalt  }
0x72: {  	_ =	shalt  }
0x73: {  	_ =	shalt  }
0x74: {  	_ =	shalt  }
0x75: {  	_ =	shalt  }
0x76: {  	_ =	shalt  }
0x77: {  	_ =	shalt  }
0x78: {  	_ =	shalt  }
0x79: {  	_ =	shalt  }
0x7a: {  	_ =	shalt  }
0x7b: {  	_ =	shalt  }
0x7c: {  	_ =	shalt  }
0x7d: {  	_ =	shalt  }
0x7e: {  	_ =	shalt  }
0x7f: {  	_ =	shalt  }
0x80: {  	_ =	shalt  }
0x81: {  	_ =	shalt  }
0x82: {  	_ =	shalt  }
0x83: {  	_ =	shalt  }
0x84: {  	_ =	shalt  }
0x85: {  	_ =	shalt  }
0x86: {  	_ =	shalt  }
0x87: {  	_ =	shalt  }
.Lfunc_end0:
.L_simem_size_0:
called_computation.2_lowered:
.L_overlay_start_0:
0x88: {  	s2 =	sld [smem:$0x3FD9]  }
0x89: {  	s3 =	sld [smem:$0x3FFE];
	_ =	sdelay $0x1  }
0x8a: {  	s1 =	srdreg.scid  }
0x8b: {  	s0 =	sand.u32 $0x1, s1  }
0x8c: {  	s16 =	sshll.u32 s0, $0xA;
	s2 =	sadd.s32 s3, s2  }
0x8d: {  	s2 =	sadd.s32 s2, s16  }
0x8e: {  	[smem:$0x3FC2] =	sst s2  }
0x8f: {  	_ = 	snop  }
0x90: {  	(tm) =	ssettm $0x1  }
0x91: {  	s17 =	sld [smem:$0x3FFB];
	_ =	sdelay $0x3  }
0x92: {  	_ =	strace s17  }
0x93: {  	s2 =	sld [smem:$0x3FFC];
	_ =	sdelay $0x3  }
0x94: {  	_ =	strace s2  }
0x95: {  	s2 =	sld [smem:$0x3FFD];
	_ =	sdelay $0x3  }
0x96: {  	_ =	strace s2  }
0x97: {  	_ =	strace $0x8FFFFFFF  }
0x98: {  	s18 =	sld [smem:$0x3FDB];
	_ =	sdelay $0x1  }
0x99: {  	s19 =	simm.s32 $_scs_section_size  }
0x9a: {  	s4 =	simm.s32 $_size__tile_overlayer_lowered;
	s5 =	simm.s32 $_tile_overlayer_lowered  }
0x9b: {  	s22 =	simm.s32 $0x1BFF;
	s21 =	sshll.u32 s5, $0x1;
	s2 =	sadd.s32 s19, s18  }
0x9c: {  	s6 =	simm.s32 $0x0;
	s20 =	sshll.u32 s4, $0x1;
	s4 =	sadd.s32 s21, s2  }
0x9d: {  	[timem:s6], [sflag:s22] =	dma.local [hbm:s4], s20  }
0x9e: {  	_ =	swait.ge [sflag:s22], s20  }
0x9f: {  	s3 =	ssub.s32 $0x0, s20;
	[sflag:s22] =	ssyncset.done $0x0  }
0xa0: {  	[sflag:s22] =	ssyncadd.s32 s3;
	_ =	sdelay $0x1  }
0xa1: {  	s23 =	simm.s32 $0x1B8B  }
0xa2: {  	_ =	swait.ge [sflag:s23], $0x1  }
0xa3: {  	[sflag:s23] =	ssyncset.done $0x0  }
0xa4: {  	s25 =	simm.s32 $0x1B8E;
	s24 =	sld [smem:$0x3FFE];
	[sflag:s23] =	ssyncadd.s32 $0xFFFFFFFF  }
0xa5: {  	s26 =	simm.s32 $execute0_lowered;
	[smem:$0x3FD2] =	sst s25  }
0xa6: {  	s4 =	sshll.u32 s26, $0x1;
	_ =	strace $0x8000004C;
	[dreg:$0x1] =	wrdreg $0xFFFFFFFF  }
0xa7: {  	s28 =	simm.s32 $_size_execute0_lowered;
	s2 =	sadd.s32 s2, s4;
	[dreg:$0x0] =	wrdreg $0x0  }
0xa8: {  	s4 =	sshll.u32 s28, $0x1;
	[dreg:$0x2] =	wrdreg s2  }
0xa9: {  	[dreg:$0x3] =	wrdreg s4  }
0xaa: {  	[dreg:$0x4] =	wrdreg $0xC0  }
0xab: {  	_ =	task [dreg:s6], $0x5FFFF  }
0xac: {  	[dreg:$0x1] =	wrdreg $0xFFFFFFFF  }
0xad: {  	[dreg:$0x0] =	wrdreg $0x60  }
0xae: {  	[dreg:$0x2] =	wrdreg s24  }
0xaf: {  	[dreg:$0x3] =	wrdreg $0xBD000  }
0xb0: {  	[dreg:$0x4] =	wrdreg $0xD6000  }
0xb1: {  	[dreg:$0x5] =	wrdreg $0x9  }
0xb2: {  	_ =	task.clear_ibuf [dreg:s6], $0x6FFFF;
	_ =	strace $0x9000004C  }
0xb3: {  	s29 =	simm.s32 $0x9;
	_ =	strace $0x8000004E  }
0xb4: {  	_ =	swait.ge [sflag:s29], $0x1  }
0xb5: {  	[sflag:s29] =	ssyncadd.s32 $0xFFFFFFFF  }
0xb6: {  	_ =	strace $0x9000004E  }
0xb7: {  	_ =	sfence  }
0xb8: {  	s30 =	sld [smem:$0x0];
	_ =	sdelay $0x2  }
0xb9: {  	s31 =	sshll.u32 s1, $0xD;
	s1 =	sshrl.u32 s1, $0x2  }
0xba: {  	s3 =	sand.u32 $0x4000, s31;
	s1 =	sadd.s32 s1, s30  }
0xbb: {  	s0 =	sor.u32 s3, s0;
	s1 =	sshll.u32 s1, $0x11  }
0xbc: {  	s0 =	sor.u32 s1, s0  }
0xbd: {  	s0 =	sadd.s32 $0x8F2B, s0  }
0xbe: {  	[sflag:s0] =	ssyncadd.remote.s32 $0x1  }
0xbf: {  	_ =	sfence.sel $0xFFFF  }
0xc0: {  	[dreg:$0x0] =	wrdreg $0xFFFFFFFF;
	(pc) =	sbr.abs _section_cstart, $3  }
0xc1: {  	[dreg:$0x1] =	wrdreg $0xFFFFFFFF  }
0xc2: {  	_ =	task.clear_ibuf [dreg:s6], $0x2FFFF;
	_ =	strace $0x9FFFFFFF  }
0xc3: {  	(tm) =	ssettm $0x7FFFFFFF  }
tec
execute0_lowered:
.L_overlay_start_1:
0x0: {  	(tag) =	ssettag $0x1  }
0x1: {  	s0 =	rddreg [dreg:$0x0]  }
0x2: {  	s1 =	rddreg [dreg:$0x1]  }
0x3: {  	s2 =	rddreg [dreg:$0x2];
	s3 =	simm.s32 $0x0  }
0x4: {  	s4 =	stileid.u32;
	s5 =	srdreg.scid;
	s28 =	simm.s32 $0x2  }
0x5: {  	s29 =	simm.s32 $0x9D80;
	s30 =	simm.s32 $0x5;
	s31 =	simm.s32 $0x4  }
0x6: {  	[smem:$0x7FF] =	sst s3;
	s6 =	smul.u32 $0x1900, s4;
	s14 =	sadd.s32 $0x2C00, s0  }
0x7: {  	s11 =	sand.u32 $0x1, s5;
	s16 =	sadd.s32 $0xC6200, s0;
	s18 =	sshll.u32 s4, $0x6  }
0x8: {  	p0 =	sne.s32 s4, $0x0;
	_ =	strace $0x8000004D;
	s7 =	ssub.s32 $0x2, s11  }
0x9: {  	s13 =	sshll.u32 s11, $0x4;
	s5 =	sor.u32 $0x1C07, s18;
	s18 =	smul.u32 $0x61A80, s11  }
0xa: {  	s12 =	sshrl.u32 s6, $0x3;
	s9 =	sshrl.u32 s7, $0x1;
	s15 =	sor.u32 s4, s13  }
0xb: {  	s17 =	sadd.s32 s6, s1;
	s6 =	sadd.s32 s6, s2;
	s8 =	sadd.s32 s12, s0  }
0xc: {  	s0 =	sadd.s32 s13, s0;
	s12 =	ssub.s32 s7, s9;
	s19 =	smul.u32 $0x30D40, s15  }
0xd: {  	s13 =	smul.u32 $0x61A8, s15;
	s15 =	sadd.s32 s18, s14;
	s26 =	sadd.s32 s18, s16  }
0xe: {  	s17 =	sshrl.u32 s17, $0x3;
	s18 =	simm.s32 $0x7;
	s10 =	sadd.s32 $0x189800, s8  }
0xf: {  	s20 =	sadd.s32 $0x18CA00, s8;
	s11 =	sadd.s32 $0x18FC00, s0;
	[dreg:$0x4] =	wrdreg s10  }
0x10: {  	s12 =	smax.u32 s12, $0x1;
	s0 =	simm.s32 $0x6;
	[dreg:$0x5] =	wrdreg s20  }
0x11: {  	s9 =	sshrl.u32 s19, $0x3;
	s21 =	sadd.s32 s14, s13;
	s22 =	sadd.s32 s16, s13  }
0x12: {  	s25 =	sadd.s32 $0x5DC0, s13;
	s19 =	smul.u32 $0x61A8, s4;
	[dreg:$0x6] =	wrdreg s21  }
0x13: {  	s20 =	simm.s32 $0x3F00;
	s4 =	simm.s32 $0x0;
	[dreg:$0x7] =	wrdreg s22  }
0x14: {  	s23 =	sadd.s32 $0x3E8, s9;
	s13 =	sadd.s32 s14, s25;
	s21 =	simm.s32 $0x1  }
0x15: {  	s22 =	simm.s32 $0x1F40;
	s24 =	sadd.s32 s14, s23;
	s10 =	sadd.s32 s16, s23  }
0x16: {  	s14 =	sadd.s32 s16, s25;
	s15 =	sadd.s32 s19, s15;
	s16 =	sadd.s32 s19, s26  }
0x17: {  	s19 =	sshrl.u32 s6, $0x3;
	s23 =	simm.s32 $0x7E00;
	s25 =	simm.s32 $0x5E80  }
0x18: {  	s26 =	simm.s32 $0x3;
	[dreg:$0x8] =	wrdreg s24;
	s24 =	simm.s32 $0x1F80  }
.LBB2_1:
0x19: {  	s6 =	rddreg [dreg:$0x4]  }
0x1a: {  	[spmem:s17], [sflag:s5] =	dma.local [hbm:s6], $0x320  }
0x1b: {  	_ =	swait.ge [sflag:s18], $0x320  }
0x1c: {  	[sflag:s18] =	ssyncset.done $0x0  }
0x1d: {  	s8 =	rddreg [dreg:$0x5];
	[sflag:s18] =	ssyncadd.s32 $0xFFFFFCE0  }
0x1e: {  	[spmem:s19], [sflag:s5] =	dma.local [hbm:s8], $0x320  }
0x1f: {  	_ =	swait.ge [sflag:s18], $0x320  }
0x20: {  	[sflag:s18] =	ssyncset.done $0x0  }
0x21: {  	[sflag:s18] =	ssyncadd.s32 $0xFFFFFCE0  }
0x22: {  	[bflag:$0x0] =	sbarrier.arrive $0xFFFF  }
0x23: {  	s9 =	rddreg [dreg:$0x6]  }
0x24: {  	[tilespmem:s3], [sflag:$0x1] =	stream.linear.gather [hbm4b:s9+s3], $0x1F40, $0x38;
	[tilespmem:$0xEF00] =	vst v63  }
0x25: {  	s7 =	rddreg [dreg:$0x7]  }
0x26: {  	[tilespmem:s20], [sflag:$0x1] =	stream.linear.gather [hbm4b:s7+s3], $0x1F40, $0x38;
	[tilespmem:$0xEF00] =	vst v63  }
0x27: {  	_ =	swait.ge [sflag:s21], $0x1F40  }
0x28: {  	[sflag:s21] =	ssyncset.done $0x0  }
0x29: {  	[sflag:s21] =	ssyncadd.s32 $0xFFFFE0C0  }
0x2a: {  	_ =	swait.ge [sflag:s21], $0x1F40  }
0x2b: {  	[sflag:s21] =	ssyncset.done $0x0  }
0x2c: {  	[sflag:s21] =	ssyncadd.s32 $0xFFFFE0C0  }
0x2d: {  	[tilespmem:s23], [sflag:$0x3] =	stream.indirect.gather [spmem:s2], $0x1, s3, s22, $0xb8;
	[tilespmem:$0xEF00] =	vst v63  }
0x2e: {  	s8 =	rddreg [dreg:$0x8]  }
0x2f: {  	[tilespmem:s24], [sflag:$0x2] =	stream.linear.gather [hbm4b:s8+s3], $0x1F40, $0x38;
	[tilespmem:$0xEF00] =	vst v63  }
0x30: {  	_ = 	snop  }
0x31: {  	[tilespmem:s25], [sflag:$0x2] =	stream.linear.gather [hbm4b:s10+s3], $0x1F40, $0x38;
	[tilespmem:$0xEF00] =	vst v63  }
0x32: {  	_ =	swait.ge [sflag:s26], $0x1F40  }
0x33: {  	[sflag:s26] =	ssyncset.done $0x0  }
0x34: {  	[sflag:s26] =	ssyncadd.s32 $0xFFFFE0C0  }
0x35: {  	[spmem:s1] =	stream.indirect.scatter.add.f32 [tilespmem:s23], [sflag:$0x5], $0x1, s20, s22, $0xb8;
	[tilespmem:$0xEF00] =	vst v63  }
0x36: {  	_ =	swait.ge [sflag:s28], $0x1F40  }
0x37: {  	[sflag:s28] =	ssyncset.done $0x0  }
0x38: {  	[sflag:s28] =	ssyncadd.s32 $0xFFFFE0C0  }
0x39: {  	_ =	swait.ge [sflag:s28], $0x1F40  }
0x3a: {  	[sflag:s28] =	ssyncset.done $0x0  }
0x3b: {  	[sflag:s28] =	ssyncadd.s32 $0xFFFFE0C0  }
0x3c: {  	[tilespmem:s29], [sflag:$0x4] =	stream.indirect.gather [spmem:s2], $0x1, s24, s22, $0xb8;
	[tilespmem:$0xEF00] =	vst v63  }
0x3d: {  	_ =	swait.ge [sflag:s30], $0x1F40  }
0x3e: {  	s6 =	sadd.s32 $0x0, s15;
	[sflag:s30] =	ssyncset.done $0x0  }
0x3f: {  	s7 =	sadd.s32 $0x7D0, s6;
	s8 =	sadd.s32 $0x0, s16;
	[sflag:s30] =	ssyncadd.s32 $0xFFFFE0C0  }
0x40: {  	[tilespmem:s3], [sflag:$0x1] =	stream.linear.gather [hbm4b:s7+s3], $0x1F40, $0x38;
	[tilespmem:$0xEF00] =	vst v63  }
0x41: {  	s9 =	sadd.s32 $0x7D0, s8  }
0x42: {  	[tilespmem:s20], [sflag:$0x1] =	stream.linear.gather [hbm4b:s9+s3], $0x1F40, $0x38;
	[tilespmem:$0xEF00] =	vst v63  }
0x43: {  	_ =	swait.ge [sflag:s31], $0x1F40  }
0x44: {  	[sflag:s31] =	ssyncset.done $0x0  }
0x45: {  	[sflag:s31] =	ssyncadd.s32 $0xFFFFE0C0  }
0x46: {  	[spmem:s1] =	stream.indirect.scatter.add.f32 [tilespmem:s29], [sflag:$0x6], $0x1, s25, s22, $0xb8;
	[tilespmem:$0xEF00] =	vst v63  }
0x47: {  	_ =	swait.ge [sflag:s21], $0x1F40  }
0x48: {  	[sflag:s21] =	ssyncset.done $0x0  }
0x49: {  	[sflag:s21] =	ssyncadd.s32 $0xFFFFE0C0  }
0x4a: {  	_ =	swait.ge [sflag:s21], $0x1F40  }
0x4b: {  	[sflag:s21] =	ssyncset.done $0x0  }
0x4c: {  	[sflag:s21] =	ssyncadd.s32 $0xFFFFE0C0  }
0x4d: {  	[tilespmem:s23], [sflag:$0x3] =	stream.indirect.gather [spmem:s2], $0x1, s3, s22, $0xb8;
	[tilespmem:$0xEF00] =	vst v63  }
0x4e: {  	_ =	swait.ge [sflag:s0], $0x1F40  }
0x4f: {  	[sflag:s0] =	ssyncset.done $0x0  }
0x50: {  	s6 =	sadd.s32 $0xBB8, s6;
	[sflag:s0] =	ssyncadd.s32 $0xFFFFE0C0  }
0x51: {  	[tilespmem:s24], [sflag:$0x2] =	stream.linear.gather [hbm4b:s6+s3], $0x1F40, $0x38;
	[tilespmem:$0xEF00] =	vst v63  }
0x52: {  	s9 =	sadd.s32 $0xBB8, s8  }
0x53: {  	[tilespmem:s25], [sflag:$0x2] =	stream.linear.gather [hbm4b:s9+s3], $0x1F40, $0x38;
	[tilespmem:$0xEF00] =	vst v63  }
0x54: {  	_ =	swait.ge [sflag:s26], $0x1F40  }
0x55: {  	[sflag:s26] =	ssyncset.done $0x0  }
0x56: {  	s6 =	simm.s32 $0x7D0;
	[sflag:s26] =	ssyncadd.s32 $0xFFFFE0C0  }
.LBB2_2:
0x57: {  	[spmem:s1] =	stream.indirect.scatter.add.f32 [tilespmem:s23], [sflag:$0x5], $0x1, s20, s22, $0xb8;
	[tilespmem:$0xEF00] =	vst v63  }
0x58: {  	s7 =	smov.u32 s6  }
0x59: {  	p1 =	sne.s32 s6, $0x4E20;
	s6 =	sadd.s32 $0x7D0, s6;
	_ =	swait.ge [sflag:s28], $0x1F40  }
0x5a: {  	[sflag:s28] =	ssyncset.done $0x0  }
0x5b: {  	[sflag:s28] =	ssyncadd.s32 $0xFFFFE0C0  }
0x5c: {  	_ =	swait.ge [sflag:s28], $0x1F40  }
0x5d: {  	[sflag:s28] =	ssyncset.done $0x0  }
0x5e: {  	[sflag:s28] =	ssyncadd.s32 $0xFFFFE0C0  }
0x5f: {  	[tilespmem:s29], [sflag:$0x4] =	stream.indirect.gather [spmem:s2], $0x1, s24, s22, $0xb8;
	[tilespmem:$0xEF00] =	vst v63  }
0x60: {  	_ =	swait.ge [sflag:s30], $0x1F40  }
0x61: {  	s8 =	sadd.s32 s7, s15;
	[sflag:s30] =	ssyncset.done $0x0  }
0x62: {  	s7 =	sadd.s32 s7, s16;
	s9 =	sadd.s32 $0x7D0, s8;
	[sflag:s30] =	ssyncadd.s32 $0xFFFFE0C0  }
0x63: {  	[tilespmem:s3], [sflag:$0x1] =	stream.linear.gather [hbm4b:s9+s3], $0x1F40, $0x38;
	[tilespmem:$0xEF00] =	vst v63  }
0x64: {  	s9 =	sadd.s32 $0x7D0, s7  }
0x65: {  	[tilespmem:s20], [sflag:$0x1] =	stream.linear.gather [hbm4b:s9+s3], $0x1F40, $0x38;
	[tilespmem:$0xEF00] =	vst v63  }
0x66: {  	_ =	swait.ge [sflag:s31], $0x1F40  }
0x67: {  	[sflag:s31] =	ssyncset.done $0x0  }
0x68: {  	[sflag:s31] =	ssyncadd.s32 $0xFFFFE0C0  }
0x69: {  	[spmem:s1] =	stream.indirect.scatter.add.f32 [tilespmem:s29], [sflag:$0x6], $0x1, s25, s22, $0xb8;
	[tilespmem:$0xEF00] =	vst v63  }
0x6a: {  	_ =	swait.ge [sflag:s21], $0x1F40  }
0x6b: {  	[sflag:s21] =	ssyncset.done $0x0  }
0x6c: {  	[sflag:s21] =	ssyncadd.s32 $0xFFFFE0C0  }
0x6d: {  	_ =	swait.ge [sflag:s21], $0x1F40  }
0x6e: {  	[sflag:s21] =	ssyncset.done $0x0  }
0x6f: {  	[sflag:s21] =	ssyncadd.s32 $0xFFFFE0C0  }
0x70: {  	[tilespmem:s23], [sflag:$0x3] =	stream.indirect.gather [spmem:s2], $0x1, s3, s22, $0xb8;
	[tilespmem:$0xEF00] =	vst v63  }
0x71: {  	_ =	swait.ge [sflag:s0], $0x1F40  }
0x72: {  	[sflag:s0] =	ssyncset.done $0x0  }
0x73: {  	s8 =	sadd.s32 $0xBB8, s8;
	[sflag:s0] =	ssyncadd.s32 $0xFFFFE0C0  }
0x74: {  	[tilespmem:s24], [sflag:$0x2] =	stream.linear.gather [hbm4b:s8+s3], $0x1F40, $0x38;
	[tilespmem:$0xEF00] =	vst v63  }
.Ltmp0:
0x75: {  	s7 =	sadd.s32 $0xBB8, s7;
	(pc) =	sbr.rel @p1 .LBB2_2-.Ltmp0, $4  }
0x76: {  	[tilespmem:s25], [sflag:$0x2] =	stream.linear.gather [hbm4b:s7+s3], $0x1F40, $0x38;
	[tilespmem:$0xEF00] =	vst v63  }
0x77: {  	_ =	swait.ge [sflag:s26], $0x1F40  }
0x78: {  	[sflag:s26] =	ssyncset.done $0x0  }
0x79: {  	[sflag:s26] =	ssyncadd.s32 $0xFFFFE0C0  }
0x7a: {  	[spmem:s1] =	stream.indirect.scatter.add.f32 [tilespmem:s23], [sflag:$0x5], $0x1, s20, s22, $0xb8;
	[tilespmem:$0xEF00] =	vst v63  }
0x7b: {  	_ =	swait.ge [sflag:s28], $0x1F40  }
0x7c: {  	[sflag:s28] =	ssyncset.done $0x0  }
0x7d: {  	[sflag:s28] =	ssyncadd.s32 $0xFFFFE0C0  }
0x7e: {  	_ =	swait.ge [sflag:s28], $0x1F40  }
0x7f: {  	[sflag:s28] =	ssyncset.done $0x0  }
0x80: {  	[sflag:s28] =	ssyncadd.s32 $0xFFFFE0C0  }
0x81: {  	[tilespmem:s29], [sflag:$0x4] =	stream.indirect.gather [spmem:s2], $0x1, s24, s22, $0xb8;
	[tilespmem:$0xEF00] =	vst v63  }
0x82: {  	_ =	swait.ge [sflag:s30], $0x1F40  }
0x83: {  	[sflag:s30] =	ssyncset.done $0x0  }
0x84: {  	[sflag:s30] =	ssyncadd.s32 $0xFFFFE0C0  }
0x85: {  	[tilespmem:s3], [sflag:$0x1] =	stream.linear.gather [hbm4b:s13+s3], $0x1F40, $0x38;
	[tilespmem:$0xEF00] =	vst v63  }
0x86: {  	_ = 	snop  }
0x87: {  	[tilespmem:s20], [sflag:$0x1] =	stream.linear.gather [hbm4b:s14+s3], $0x1F40, $0x38;
	[tilespmem:$0xEF00] =	vst v63  }
0x88: {  	_ =	swait.ge [sflag:s31], $0x1F40  }
0x89: {  	[sflag:s31] =	ssyncset.done $0x0  }
0x8a: {  	[sflag:s31] =	ssyncadd.s32 $0xFFFFE0C0  }
0x8b: {  	[spmem:s1] =	stream.indirect.scatter.add.f32 [tilespmem:s29], [sflag:$0x6], $0x1, s25, s22, $0xb8;
	[tilespmem:$0xEF00] =	vst v63  }
0x8c: {  	_ =	swait.ge [sflag:s21], $0x1F40  }
0x8d: {  	[sflag:s21] =	ssyncset.done $0x0  }
0x8e: {  	[sflag:s21] =	ssyncadd.s32 $0xFFFFE0C0  }
0x8f: {  	_ =	swait.ge [sflag:s21], $0x1F40  }
0x90: {  	[sflag:s21] =	ssyncset.done $0x0  }
0x91: {  	[sflag:s21] =	ssyncadd.s32 $0xFFFFE0C0  }
0x92: {  	[tilespmem:s23], [sflag:$0x3] =	stream.indirect.gather [spmem:s2], $0x1, s3, s22, $0xb8;
	[tilespmem:$0xEF00] =	vst v63  }
0x93: {  	_ =	swait.ge [sflag:s0], $0x1F40  }
0x94: {  	[sflag:s0] =	ssyncset.done $0x0  }
0x95: {  	[sflag:s0] =	ssyncadd.s32 $0xFFFFE0C0  }
0x96: {  	[tilespmem:s24], [sflag:$0x2] =	stream.linear.gather [hbm4b:s13+s3], $0x1F40, $0x38;
	[tilespmem:$0xEF00] =	vst v63  }
0x97: {  	_ = 	snop  }
0x98: {  	[tilespmem:s25], [sflag:$0x2] =	stream.linear.gather [hbm4b:s14+s3], $0x1F40, $0x38;
	[tilespmem:$0xEF00] =	vst v63  }
0x99: {  	_ =	swait.ge [sflag:s26], $0x1F40  }
0x9a: {  	[sflag:s26] =	ssyncset.done $0x0  }
0x9b: {  	[sflag:s26] =	ssyncadd.s32 $0xFFFFE0C0  }
0x9c: {  	[spmem:s1] =	stream.indirect.scatter.add.f32 [tilespmem:s23], [sflag:$0x5], $0x1, s20, s22, $0xb8;
	[tilespmem:$0xEF00] =	vst v63  }
0x9d: {  	_ =	swait.ge [sflag:s28], $0x1F40  }
0x9e: {  	[sflag:s28] =	ssyncset.done $0x0  }
0x9f: {  	[sflag:s28] =	ssyncadd.s32 $0xFFFFE0C0  }
0xa0: {  	_ =	swait.ge [sflag:s28], $0x1F40  }
0xa1: {  	[sflag:s28] =	ssyncset.done $0x0  }
0xa2: {  	[sflag:s28] =	ssyncadd.s32 $0xFFFFE0C0  }
0xa3: {  	_ =	swait.ge [sflag:s30], $0x1F40  }
0xa4: {  	s6 =	sshrl.u32 @!p0 s1, $0x3;
	s7 =	simm.s32 @!p0 $0x1;
	[sflag:s30] =	ssyncset.done $0x0  }
0xa5: {  	s8 =	simm.s32 @!p0 $0x20;
	s4 =	sadd.s32 $0x1, s4;
	[sflag:s30] =	ssyncadd.s32 $0xFFFFE0C0  }
0xa6: {  	s9 =	simm.s32 @!p0 $0x10;
	p1 =	sne.s32 s4, s12;
	[bflag:$0x0] =	sbarrier.arrive $0xFFFF  }
0xa7: {  	[hbm:s11@s8], [sflag:s5] =	dma.strided @!p0 [spmem:s6@s9], $0x3200, s7, $0x10   }
.Ltmp1:
0xa8: {  	_ = 	snop;
	(pc) =	sbr.rel @p1 .LBB2_1-.Ltmp1, $4  }
0xa9: {  	s6 =	simm.s32 @!p0 $0x7  }
0xaa: {  	_ =	swait.ge @!p0 [sflag:s6], $0x3200  }
0xab: {  	[sflag:s6] =	ssyncset.done @!p0 $0x0  }
0xac: {  	[sflag:s6] =	ssyncadd.s32 @!p0 $0xFFFFCE00  }
0xad: {  	_ =	sfence.sel $0x180000  }
0xae: {  	[bflag:$0x0] =	sbarrier.arrive $0xFFFF  }
0xaf: {  	_ =	strace $0x9000004D  }
0xb0: {  	[bflag:$0x2] =	sbarrier.arrive $0xFFFF  }
0xb1: {  	s0 =	rddreg [dreg:$0x3]  }
0xb2: {  	s0 =	sadd.s32 @!p0 $0x100000, s0  }
0xb3: {  	[sflag:s0] =	ssyncadd.tile.s32 @!p0 $0x1;
	_ =	shalt  }
.Lfunc_end2:
_tile_overlayer_lowered:
.L_overlay_start_2:
0xb4: {  	(tag) =	ssettag $0x2  }
0xb5: {  	s0 =	rddreg [dreg:$0x0];
	s2 =	stileid.u32  }
0xb6: {  	s1 =	rddreg [dreg:$0x1];
	p0 =	sne.s32 s2, $0x0  }
0xb7: {  	s3 =	rddreg [dreg:$0x2];
	[bflag:$0x3] =	sbarrier.arrive $0xFFFF;
	s2 =	simm.s32 @!p0 $0x1C07  }
0xb8: {  	[timem:s3], [sflag:s2] =	dma.local @!p0 [hbm:s0], s1  }
0xb9: {  	s0 =	simm.s32 @!p0 $0x7  }
0xba: {  	_ =	swait.ge @!p0 [sflag:s0], s1  }
0xbb: {  	s1 =	ssub.s32 @!p0 $0x0, s1;
	[sflag:s0] =	ssyncset.done @!p0 $0x0  }
0xbc: {  	[sflag:s0] =	ssyncadd.s32 @!p0 s1  }
0xbd: {  	[bflag:$0x3] =	sbarrier.arrive $0xFFFF  }
0xbe: {  	_ =	shalt  }

// kernel: kernel.8.cloned.1.call-start
scs
__scs_entry_jumppad:
0x0: {  	(pc) =	sbr.rel $0x88, $3  }
0x1: {  	(tag) =	ssettag $0x0;
	lr =	simm.s32 $0x1  }
0x2: {  	[smem:$0x3F9B] =	sst lr;
	_ =	strace $0xD0000000  }
0x3: {  	_ = 	snop  }
0x4: {  	_ = 	snop  }
0x5: {  	_ = 	snop  }
0x6: {  	_ = 	snop  }
0x7: {  	_ = 	snop  }
__scs_overlays_trampoline_lowered:
0x8: {  	[smem:$0x3FAA] =	sst s0  }
0x9: {  	[smem:$0x3FAB] =	sst s1  }
0xa: {  	[smem:$0x3FAC] =	sst s2  }
0xb: {  	[smem:$0x3FAD] =	sst s3  }
0xc: {  	[smem:$0x3FAE] =	sst s4  }
0xd: {  	[smem:$0x3FAF] =	sst s5  }
0xe: {  	[smem:$0x3FB0] =	sst s6  }
0xf: {  	[smem:$0x3FB1] =	sst s7  }
0x10: {  	[smem:$0x3FB2] =	sst s8  }
0x11: {  	[smem:$0x3FB3] =	sst s9;
	s0 =	simm.s32 @!p0 $0x0  }
0x12: {  	s1 =	sld [smem:$0x3F99];
	s0 =	simm.s32 @p0 $0x1  }
0x13: {  	[smem:$0x3FB4] =	sst s0;
	s0 =	simm.s32 @!p1 $0x0  }
0x14: {  	s2 =	sld [smem:$0x3F98];
	s0 =	simm.s32 @p1 $0x1  }
0x15: {  	[smem:$0x3FB5] =	sst s0;
	s0 =	simm.s32 @!p2 $0x0  }
0x16: {  	s3 =	sld [smem:$0x3FDB];
	s0 =	simm.s32 @p2 $0x1  }
0x17: {  	s4 =	simm.s32 $0x1BF5;
	[smem:$0x3FB7] =	sst s0  }
0x18: {  	s0 =	sld [smem:$0x3F9A];
	_ =	swait.ge [sflag:s4], $0x0  }
0x19: {  	s7 =	sld [smem:$0x3F9B]  }
0x1a: {  	s8 =	sadd.s32 $0xFFFFE003, lr  }
0x1b: {  	s9 =	sadd.s32 $0xFFFFFEF7, lr;
	s5 =	simm.s32 $0xFFFFFFFF;
	p2 =	slt.u32 s8, $0xFFFFF086  }
0x1c: {  	p1 =	slt.u32 s9, $0xF7A;
	s5 =	simm.s32 @!p2 $0x0  }
0x1d: {  	s5 =	simm.s32 @p1 $0x1;
	p0 =	seq.s32 s7, s2  }
0x1e: {  	s7 =	smul.u32 @!p0 $0xF7A, s2;
	p2 =	seq.s32 @!p0 s5, $0x0  }
0x1f: {  	s9 =	smul.u32 $0xF7A, s1;
	s8 =	simm.s32 @!p0 $0x1BF5;
	p2 =	por !p2, p0  }
0x20: {  	[sflag:s8] =	ssyncset.s32 @!p0 $0xFFFFF086;
	s6 =	sadd.s32 @!p0 s3, s7;
	s7 =	simm.s32 @!p0 $0x108  }
0x21: {  	s3 =	sadd.s32 s3, s9;
	s6 =	sadd.s32 @!p0 $0x88, s6;
	s7 =	simm.s32 @p2 $0x1082  }
0x22: {  	[simem:s7], [sflag:s8] =	dma.local @!p0 [hbm:s6], $0xF7A  }
0x23: {  	s9 =	sor.u32 $0xD0000000, s2;
	s6 =	simm.s32 $0x108;
	_ =	swait.ge @!p0 [sflag:s8], $0x0  }
0x24: {  	s3 =	sadd.s32 $0x88, s3;
	s6 =	simm.s32 @!p1 $0x1082;
	[sflag:s4] =	ssyncset.s32 $0xFFFFF086  }
0x25: {  	[simem:s6], [sflag:s4] =	dma.local [hbm:s3], $0xF7A  }
0x26: {  	[smem:$0x3F9B] =	sst s1;
	(tag) =	ssettag s2;
	_ =	strace s9  }
0x27: {  	s1 =	sld [smem:$0x3FAB]  }
0x28: {  	s2 =	sld [smem:$0x3FAC]  }
0x29: {  	s4 =	sld [smem:$0x3FAE]  }
0x2a: {  	p0 =	seq.s32 s5, $0x0;
	s5 =	sld [smem:$0x3FAF]  }
0x2b: {  	s6 =	sld [smem:$0x3FB0]  }
0x2c: {  	s7 =	sld [smem:$0x3FB1]  }
0x2d: {  	s3 =	simm.s32 $0x108;
	s8 =	sld [smem:$0x3FB2]  }
0x2e: {  	s3 =	simm.s32 @!p0 $0x1082;
	s9 =	sld [smem:$0x3FB3]  }
0x2f: {  	lr =	sadd.s32 s0, s3;
	s0 =	sld [smem:$0x3FAA]  }
0x30: {  	s3 =	sld [smem:$0x3FAD]  }
0x31: {  	[smem:$0x3FB6] =	sst s10  }
0x32: {  	s10 =	sld [smem:$0x3FB4];
	_ =	sdelay $0x3  }
0x33: {  	p0 =	seq.s32 s10, $0x1;
	s10 =	sld [smem:$0x3FB6];
	_ =	sdelay $0x3  }
0x34: {  	[smem:$0x3FB6] =	sst s10  }
0x35: {  	s10 =	sld [smem:$0x3FB5];
	_ =	sdelay $0x3  }
0x36: {  	p1 =	seq.s32 s10, $0x1;
	s10 =	sld [smem:$0x3FB6];
	_ =	sdelay $0x3  }
0x37: {  	[smem:$0x3FB6] =	sst s10  }
0x38: {  	s10 =	sld [smem:$0x3FB7]  }
0x39: {  	_ = 	snop;
	(pc) =	sbr.ind lr, $3  }
0x3a: {  	_ = 	snop  }
0x3b: {  	_ = 	snop  }
0x3c: {  	p2 =	seq.s32 s10, $0x1;
	s10 =	sld [smem:$0x3FB6]  }
0x3d: {  	_ =	shalt  }
0x3e: {  	_ =	shalt  }
0x3f: {  	_ =	shalt  }
0x40: {  	_ =	shalt  }
0x41: {  	_ =	shalt  }
0x42: {  	_ =	shalt  }
0x43: {  	_ =	shalt  }
0x44: {  	_ =	shalt  }
0x45: {  	_ =	shalt  }
0x46: {  	_ =	shalt  }
0x47: {  	_ =	shalt  }
0x48: {  	_ =	shalt  }
0x49: {  	_ =	shalt  }
0x4a: {  	_ =	shalt  }
0x4b: {  	_ =	shalt  }
0x4c: {  	_ =	shalt  }
0x4d: {  	_ =	shalt  }
0x4e: {  	_ =	shalt  }
0x4f: {  	_ =	shalt  }
0x50: {  	_ =	shalt  }
0x51: {  	_ =	shalt  }
0x52: {  	_ =	shalt  }
0x53: {  	_ =	shalt  }
0x54: {  	_ =	shalt  }
0x55: {  	_ =	shalt  }
0x56: {  	_ =	shalt  }
0x57: {  	_ =	shalt  }
0x58: {  	_ =	shalt  }
0x59: {  	_ =	shalt  }
0x5a: {  	_ =	shalt  }
0x5b: {  	_ =	shalt  }
0x5c: {  	_ =	shalt  }
0x5d: {  	_ =	shalt  }
0x5e: {  	_ =	shalt  }
0x5f: {  	_ =	shalt  }
0x60: {  	_ =	shalt  }
0x61: {  	_ =	shalt  }
0x62: {  	_ =	shalt  }
0x63: {  	_ =	shalt  }
0x64: {  	_ =	shalt  }
0x65: {  	_ =	shalt  }
0x66: {  	_ =	shalt  }
0x67: {  	_ =	shalt  }
0x68: {  	_ =	shalt  }
0x69: {  	_ =	shalt  }
0x6a: {  	_ =	shalt  }
0x6b: {  	_ =	shalt  }
0x6c: {  	_ =	shalt  }
0x6d: {  	_ =	shalt  }
0x6e: {  	_ =	shalt  }
0x6f: {  	_ =	shalt  }
0x70: {  	_ =	shalt  }
0x71: {  	_ =	shalt  }
0x72: {  	_ =	shalt  }
0x73: {  	_ =	shalt  }
0x74: {  	_ =	shalt  }
0x75: {  	_ =	shalt  }
0x76: {  	_ =	shalt  }
0x77: {  	_ =	shalt  }
0x78: {  	_ =	shalt  }
0x79: {  	_ =	shalt  }
0x7a: {  	_ =	shalt  }
0x7b: {  	_ =	shalt  }
0x7c: {  	_ =	shalt  }
0x7d: {  	_ =	shalt  }
0x7e: {  	_ =	shalt  }
0x7f: {  	_ =	shalt  }
0x80: {  	_ =	shalt  }
0x81: {  	_ =	shalt  }
0x82: {  	_ =	shalt  }
0x83: {  	_ =	shalt  }
0x84: {  	_ =	shalt  }
0x85: {  	_ =	shalt  }
0x86: {  	_ =	shalt  }
0x87: {  	_ =	shalt  }
.Lfunc_end0:
.L_simem_size_0:
called_computation_lowered:
.L_overlay_start_0:
0x88: {  	s2 =	sld [smem:$0x3FD9]  }
0x89: {  	s3 =	sld [smem:$0x3FFE];
	_ =	sdelay $0x1  }
0x8a: {  	s1 =	srdreg.scid  }
0x8b: {  	s0 =	sand.u32 $0x1, s1  }
0x8c: {  	s17 =	sshll.u32 s0, $0xA;
	s2 =	sadd.s32 s3, s2  }
0x8d: {  	s2 =	sadd.s32 s2, s17  }
0x8e: {  	[smem:$0x3FC2] =	sst s2  }
0x8f: {  	_ = 	snop  }
0x90: {  	s2 =	sld [smem:$0x3FD0];
	(tm) =	ssettm $0x1  }
0x91: {  	s18 =	sld [smem:$0x3FFB];
	_ =	sdelay $0x3  }
0x92: {  	_ =	strace s18  }
0x93: {  	s3 =	sld [smem:$0x3FFC];
	_ =	sdelay $0x3  }
0x94: {  	_ =	strace s3  }
0x95: {  	s3 =	sld [smem:$0x3FFD];
	_ =	sdelay $0x3  }
0x96: {  	_ =	strace s3  }
0x97: {  	_ =	strace $0x8FFFFFFF  }
0x98: {  	s19 =	sld [smem:$0x3FDB];
	_ =	sdelay $0x1  }
0x99: {  	s4 =	simm.s32 $_scs_section_size  }
0x9a: {  	s5 =	simm.s32 $_size__tile_overlayer_lowered;
	s6 =	simm.s32 $_tile_overlayer_lowered  }
0x9b: {  	s22 =	simm.s32 $0x1BFF;
	s21 =	sshll.u32 s6, $0x1;
	s3 =	sadd.s32 s4, s19  }
0x9c: {  	s7 =	simm.s32 $0x0;
	s20 =	sshll.u32 s5, $0x1;
	s5 =	sadd.s32 s21, s3  }
0x9d: {  	[timem:s7], [sflag:s22] =	dma.local [hbm:s5], s20  }
0x9e: {  	_ =	swait.ge [sflag:s22], s20  }
0x9f: {  	s4 =	ssub.s32 $0x0, s20;
	[sflag:s22] =	ssyncset.done $0x0  }
0xa0: {  	[sflag:s22] =	ssyncadd.s32 s4;
	_ =	sdelay $0x1  }
0xa1: {  	s23 =	simm.s32 $0x1B8B  }
0xa2: {  	_ =	swait.ge [sflag:s23], $0x1  }
0xa3: {  	[sflag:s23] =	ssyncset.done $0x0  }
0xa4: {  	s25 =	simm.s32 $0x1B8E;
	s24 =	sld [smem:$0x3FFE];
	[sflag:s23] =	ssyncadd.s32 $0xFFFFFFFF  }
0xa5: {  	s26 =	simm.s32 $execute0_lowered;
	[smem:$0x3FD2] =	sst s25  }
0xa6: {  	s5 =	sshll.u32 s26, $0x1;
	_ =	strace $0x80000046;
	[dreg:$0x1] =	wrdreg $0xFFFFFFFF  }
0xa7: {  	s28 =	simm.s32 $_size_execute0_lowered;
	s3 =	sadd.s32 s3, s5;
	[dreg:$0x0] =	wrdreg $0x0  }
0xa8: {  	s5 =	sshll.u32 s28, $0x1;
	[dreg:$0x2] =	wrdreg s3  }
0xa9: {  	[dreg:$0x3] =	wrdreg s5  }
0xaa: {  	[dreg:$0x4] =	wrdreg $0xC0  }
0xab: {  	_ =	task [dreg:s7], $0x5FFFF  }
0xac: {  	[dreg:$0x1] =	wrdreg $0xFFFFFFFF  }
0xad: {  	[dreg:$0x0] =	wrdreg $0x60  }
0xae: {  	[dreg:$0x2] =	wrdreg s24  }
0xaf: {  	[dreg:$0x3] =	wrdreg s2  }
0xb0: {  	[dreg:$0x4] =	wrdreg $0x5E800  }
0xb1: {  	[dreg:$0x5] =	wrdreg $0x9  }
0xb2: {  	_ =	task.clear_ibuf [dreg:s7], $0x6FFFF;
	_ =	strace $0x90000046  }
0xb3: {  	s29 =	simm.s32 $0x9;
	_ =	strace $0x80000048  }
0xb4: {  	_ =	swait.ge [sflag:s29], $0x1  }
0xb5: {  	[sflag:s29] =	ssyncadd.s32 $0xFFFFFFFF  }
0xb6: {  	_ =	strace $0x90000048  }
0xb7: {  	_ =	sfence  }
0xb8: {  	s30 =	sld [smem:$0x0];
	_ =	sdelay $0x2  }
0xb9: {  	s31 =	sshll.u32 s1, $0xD;
	s1 =	sshrl.u32 s1, $0x2  }
0xba: {  	s3 =	sand.u32 $0x4000, s31;
	s1 =	sadd.s32 s1, s30  }
0xbb: {  	s0 =	sor.u32 s3, s0;
	s1 =	sshll.u32 s1, $0x11  }
0xbc: {  	s0 =	sor.u32 s1, s0  }
0xbd: {  	s0 =	sadd.s32 $0x8F2B, s0  }
0xbe: {  	[sflag:s0] =	ssyncadd.remote.s32 $0x1  }
0xbf: {  	_ =	sfence.sel $0xFFFF  }
0xc0: {  	[dreg:$0x0] =	wrdreg $0xFFFFFFFF;
	(pc) =	sbr.abs _section_cstart, $3  }
0xc1: {  	[dreg:$0x1] =	wrdreg $0xFFFFFFFF  }
0xc2: {  	_ =	task.clear_ibuf [dreg:s7], $0x2FFFF;
	_ =	strace $0x9FFFFFFF  }
0xc3: {  	(tm) =	ssettm $0x7FFFFFFF  }
tec
execute0_lowered:
.L_overlay_start_1:
0x0: {  	(tag) =	ssettag $0x1  }
0x1: {  	s4 =	rddreg [dreg:$0x0]  }
0x2: {  	s1 =	rddreg [dreg:$0x1]  }
0x3: {  	s2 =	rddreg [dreg:$0x2]  }
0x4: {  	s0 =	rddreg [dreg:$0x3]  }
0x5: {  	s3 =	simm.s32 $0x0;
	s20 =	stileid.u32;
	s5 =	srdreg.scid  }
0x6: {  	s16 =	simm.s32 $0x1F80;
	s17 =	simm.s32 $0x1F40;
	s18 =	simm.s32 $0x2  }
0x7: {  	s19 =	simm.s32 $0x3;
	s22 =	simm.s32 $0x0;
	[smem:$0x7FF] =	sst s3  }
0x8: {  	s6 =	smul.u32 $0x1900, s20;
	s7 =	sand.u32 $0x1, s5;
	s10 =	sadd.s32 $0xC6200, s4  }
0x9: {  	s30 =	smul.u32 $0x61A8, s20;
	s31 =	sshll.u32 s20, $0x6;
	p0 =	sne.s32 s20, $0x0  }
0xa: {  	_ =	strace $0x80000047;
	s5 =	sshll.u32 s7, $0x4;
	s9 =	ssub.s32 $0x2, s7  }
0xb: {  	s29 =	smul.u32 $0x61A80, s7;
	s21 =	sshrl.u32 @!p0 s2, $0x3;
	s8 =	sshrl.u32 s6, $0x3  }
0xc: {  	s11 =	sor.u32 s20, s5;
	s12 =	sshrl.u32 s9, $0x1;
	s14 =	sadd.s32 s5, s4  }
0xd: {  	s15 =	sadd.s32 s6, s2;
	s20 =	simm.s32 $0x4;
	s13 =	smul.u32 $0x30D40, s11  }
0xe: {  	s8 =	sadd.s32 s8, s4;
	s9 =	ssub.s32 s9, s12;
	s26 =	smul.u32 $0x61A8, s11  }
0xf: {  	s7 =	sadd.s32 $0x18CA00, s14;
	s11 =	simm.s32 $0x3F00;
	s12 =	simm.s32 $0x5  }
0x10: {  	s14 =	sshrl.u32 s15, $0x3;
	s15 =	simm.s32 $0x1;
	s4 =	sadd.s32 $0x189800, s8  }
0x11: {  	s8 =	smax.u32 s9, $0x1;
	s28 =	sshrl.u32 s13, $0x3;
	s5 =	sadd.s32 s10, s26  }
0x12: {  	s13 =	sor.u32 $0x1C05, s31;
	s6 =	sadd.s32 s10, s28;
	s10 =	sadd.s32 s29, s10  }
0x13: {  	s9 =	sadd.s32 $0x5DC0, s5;
	s6 =	sadd.s32 $0x3E8, s6;
	s10 =	sadd.s32 s30, s10  }
.LBB2_1:
0x14: {  	[tilespmem:s11], [sflag:$0x5] =	stream.linear.gather [hbm4b:s1+s3], $0x1F80, $0x38;
	[tilespmem:$0x7780] =	vst v63  }
0x15: {  	_ =	swait.ge [sflag:s12], $0x1F80  }
0x16: {  	[sflag:s12] =	ssyncset.done $0x0  }
0x17: {  	[sflag:s12] =	ssyncadd.s32 $0xFFFFE080  }
0x18: {  	[spmem:s14], [sflag:s13] =	dma.local [hbm:s4], $0x320  }
0x19: {  	_ =	swait.ge [sflag:s12], $0x320  }
0x1a: {  	[sflag:s12] =	ssyncset.done $0x0  }
0x1b: {  	[sflag:s12] =	ssyncadd.s32 $0xFFFFFCE0  }
0x1c: {  	[bflag:$0x0] =	sbarrier.arrive $0xFFFF  }
0x1d: {  	[tilespmem:s3], [sflag:$0x1] =	stream.linear.gather [hbm4b:s5+s3], $0x1F40, $0x38;
	[tilespmem:$0x7780] =	vst v63  }
0x1e: {  	_ =	swait.ge [sflag:s15], $0x1F40  }
0x1f: {  	[sflag:s15] =	ssyncset.done $0x0  }
0x20: {  	[sflag:s15] =	ssyncadd.s32 $0xFFFFE0C0  }
0x21: {  	[tilespmem:s16], [sflag:$0x2] =	stream.linear.gather [hbm4b:s6+s3], $0x1F40, $0x38;
	[tilespmem:$0x7780] =	vst v63  }
0x22: {  	_ = 	snop  }
0x23: {  	[spmem:s2] =	stream.indirect.scatter.add.f32 [tilespmem:s11], [sflag:$0x3], $0x1, s3, s17, $0xb8;
	[tilespmem:$0x7780] =	vst v63  }
0x24: {  	_ =	swait.ge [sflag:s18], $0x1F40  }
0x25: {  	[sflag:s18] =	ssyncset.done $0x0  }
0x26: {  	[sflag:s18] =	ssyncadd.s32 $0xFFFFE0C0  }
0x27: {  	_ =	swait.ge [sflag:s19], $0x1F40  }
0x28: {  	s23 =	sadd.s32 $0xFFFFAA10, s10;
	[sflag:s19] =	ssyncset.done $0x0  }
0x29: {  	s24 =	sadd.s32 $0x5DC0, s23;
	[sflag:s19] =	ssyncadd.s32 $0xFFFFE0C0  }
0x2a: {  	[tilespmem:s3], [sflag:$0x1] =	stream.linear.gather [hbm4b:s24+s3], $0x1F40, $0x38;
	[tilespmem:$0x7780] =	vst v63  }
0x2b: {  	_ = 	snop  }
0x2c: {  	[spmem:s2] =	stream.indirect.scatter.add.f32 [tilespmem:s11], [sflag:$0x4], $0x1, s16, s17, $0xb8;
	[tilespmem:$0x7780] =	vst v63  }
0x2d: {  	_ =	swait.ge [sflag:s15], $0x1F40  }
0x2e: {  	[sflag:s15] =	ssyncset.done $0x0  }
0x2f: {  	[sflag:s15] =	ssyncadd.s32 $0xFFFFE0C0  }
0x30: {  	_ =	swait.ge [sflag:s20], $0x1F40  }
0x31: {  	[sflag:s20] =	ssyncset.done $0x0  }
0x32: {  	s23 =	sadd.s32 $0x61A8, s23;
	[sflag:s20] =	ssyncadd.s32 $0xFFFFE0C0  }
0x33: {  	[tilespmem:s16], [sflag:$0x2] =	stream.linear.gather [hbm4b:s23+s3], $0x1F40, $0x38;
	[tilespmem:$0x7780] =	vst v63  }
0x34: {  	s23 =	simm.s32 $0xFFFFB1E0  }
.LBB2_2:
0x35: {  	[spmem:s2] =	stream.indirect.scatter.add.f32 [tilespmem:s11], [sflag:$0x3], $0x1, s3, s17, $0xb8;
	[tilespmem:$0x7780] =	vst v63  }
0x36: {  	s24 =	smov.u32 s23  }
0x37: {  	p1 =	sne.s32 s23, $0xFFFFF830;
	s23 =	sadd.s32 $0x7D0, s23;
	_ =	swait.ge [sflag:s18], $0x1F40  }
0x38: {  	[sflag:s18] =	ssyncset.done $0x0  }
0x39: {  	[sflag:s18] =	ssyncadd.s32 $0xFFFFE0C0  }
0x3a: {  	_ =	swait.ge [sflag:s19], $0x1F40  }
0x3b: {  	s24 =	sadd.s32 s24, s10;
	[sflag:s19] =	ssyncset.done $0x0  }
0x3c: {  	s25 =	sadd.s32 $0x5DC0, s24;
	[sflag:s19] =	ssyncadd.s32 $0xFFFFE0C0  }
0x3d: {  	[tilespmem:s3], [sflag:$0x1] =	stream.linear.gather [hbm4b:s25+s3], $0x1F40, $0x38;
	[tilespmem:$0x7780] =	vst v63  }
0x3e: {  	_ = 	snop  }
0x3f: {  	[spmem:s2] =	stream.indirect.scatter.add.f32 [tilespmem:s11], [sflag:$0x4], $0x1, s16, s17, $0xb8;
	[tilespmem:$0x7780] =	vst v63  }
0x40: {  	_ =	swait.ge [sflag:s15], $0x1F40  }
0x41: {  	[sflag:s15] =	ssyncset.done $0x0  }
.Ltmp0:
0x42: {  	[sflag:s15] =	ssyncadd.s32 $0xFFFFE0C0;
	(pc) =	sbr.rel @p1 .LBB2_2-.Ltmp0, $4  }
0x43: {  	_ =	swait.ge [sflag:s20], $0x1F40  }
0x44: {  	[sflag:s20] =	ssyncset.done $0x0  }
0x45: {  	s24 =	sadd.s32 $0x61A8, s24;
	[sflag:s20] =	ssyncadd.s32 $0xFFFFE0C0  }
0x46: {  	[tilespmem:s16], [sflag:$0x2] =	stream.linear.gather [hbm4b:s24+s3], $0x1F40, $0x38;
	[tilespmem:$0x7780] =	vst v63  }
0x47: {  	[spmem:s2] =	stream.indirect.scatter.add.f32 [tilespmem:s11], [sflag:$0x3], $0x1, s3, s17, $0xb8;
	[tilespmem:$0x7780] =	vst v63  }
0x48: {  	_ =	swait.ge [sflag:s18], $0x1F40  }
0x49: {  	[sflag:s18] =	ssyncset.done $0x0  }
0x4a: {  	[sflag:s18] =	ssyncadd.s32 $0xFFFFE0C0  }
0x4b: {  	_ =	swait.ge [sflag:s19], $0x1F40  }
0x4c: {  	[sflag:s19] =	ssyncset.done $0x0  }
0x4d: {  	[sflag:s19] =	ssyncadd.s32 $0xFFFFE0C0  }
0x4e: {  	[tilespmem:s3], [sflag:$0x1] =	stream.linear.gather [hbm4b:s9+s3], $0x1F40, $0x38;
	[tilespmem:$0x7780] =	vst v63  }
0x4f: {  	_ = 	snop  }
0x50: {  	[spmem:s2] =	stream.indirect.scatter.add.f32 [tilespmem:s11], [sflag:$0x4], $0x1, s16, s17, $0xb8;
	[tilespmem:$0x7780] =	vst v63  }
0x51: {  	_ =	swait.ge [sflag:s15], $0x1F40  }
0x52: {  	[sflag:s15] =	ssyncset.done $0x0  }
0x53: {  	[sflag:s15] =	ssyncadd.s32 $0xFFFFE0C0  }
0x54: {  	_ =	swait.ge [sflag:s20], $0x1F40  }
0x55: {  	[sflag:s20] =	ssyncset.done $0x0  }
0x56: {  	[sflag:s20] =	ssyncadd.s32 $0xFFFFE0C0  }
0x57: {  	[tilespmem:s16], [sflag:$0x2] =	stream.linear.gather [hbm4b:s9+s3], $0x1F40, $0x38;
	[tilespmem:$0x7780] =	vst v63  }
0x58: {  	_ = 	snop  }
0x59: {  	[spmem:s2] =	stream.indirect.scatter.add.f32 [tilespmem:s11], [sflag:$0x3], $0x1, s3, s17, $0xb8;
	[tilespmem:$0x7780] =	vst v63  }
0x5a: {  	_ =	swait.ge [sflag:s18], $0x1F40  }
0x5b: {  	[sflag:s18] =	ssyncset.done $0x0  }
0x5c: {  	[sflag:s18] =	ssyncadd.s32 $0xFFFFE0C0  }
0x5d: {  	_ =	swait.ge [sflag:s19], $0x1F40  }
0x5e: {  	s23 =	simm.s32 @!p0 $0x1;
	[sflag:s19] =	ssyncset.done $0x0  }
0x5f: {  	s24 =	simm.s32 @!p0 $0x20;
	s22 =	sadd.s32 $0x1, s22;
	[sflag:s19] =	ssyncadd.s32 $0xFFFFE0C0  }
0x60: {  	s25 =	simm.s32 @!p0 $0x10;
	p1 =	sne.s32 s22, s8;
	[bflag:$0x0] =	sbarrier.arrive $0xFFFF  }
0x61: {  	[hbm:s7@s24], [sflag:s13] =	dma.strided @!p0 [spmem:s21@s25], $0x3200, s23, $0x10   }
.Ltmp1:
0x62: {  	_ = 	snop;
	(pc) =	sbr.rel @p1 .LBB2_1-.Ltmp1, $4  }
0x63: {  	s23 =	simm.s32 @!p0 $0x5  }
0x64: {  	_ =	swait.ge @!p0 [sflag:s23], $0x3200  }
0x65: {  	[sflag:s23] =	ssyncset.done @!p0 $0x0  }
0x66: {  	[sflag:s23] =	ssyncadd.s32 @!p0 $0xFFFFCE00  }
0x67: {  	_ =	sfence.sel $0x180000  }
0x68: {  	[bflag:$0x0] =	sbarrier.arrive $0xFFFF  }
0x69: {  	_ =	strace $0x90000047  }
0x6a: {  	s0 =	sadd.s32 @!p0 $0x100000, s0;
	[bflag:$0x2] =	sbarrier.arrive $0xFFFF  }
0x6b: {  	[sflag:s0] =	ssyncadd.tile.s32 @!p0 $0x1;
	_ =	shalt  }
.Lfunc_end2:
_tile_overlayer_lowered:
.L_overlay_start_2:
0x6c: {  	(tag) =	ssettag $0x2  }
0x6d: {  	s0 =	rddreg [dreg:$0x0];
	s2 =	stileid.u32  }
0x6e: {  	s1 =	rddreg [dreg:$0x1];
	p0 =	sne.s32 s2, $0x0  }
0x6f: {  	s3 =	rddreg [dreg:$0x2];
	[bflag:$0x3] =	sbarrier.arrive $0xFFFF;
	s2 =	simm.s32 @!p0 $0x1C05  }
0x70: {  	[timem:s3], [sflag:s2] =	dma.local @!p0 [hbm:s0], s1  }
0x71: {  	s0 =	simm.s32 @!p0 $0x5  }
0x72: {  	_ =	swait.ge @!p0 [sflag:s0], s1  }
0x73: {  	s1 =	ssub.s32 @!p0 $0x0, s1;
	[sflag:s0] =	ssyncset.done @!p0 $0x0  }
0x74: {  	[sflag:s0] =	ssyncadd.s32 @!p0 s1  }
0x75: {  	[bflag:$0x3] =	sbarrier.arrive $0xFFFF  }
0x76: {  	_ =	shalt  }

</sc_bundles>
